<compile_context>
chip_gen: v7x
topology: tpu7x:2x2x1
jax: 0.10.2.dev20260603
libtpu: 0.0.44.dev20260713+nightly
codegen_flags: <defaults>
</compile_context>

<pallas_src>
import functools

import numpy as np
import jax
import jax.numpy as jnp
from jax import lax
from jax.experimental import pallas as pl
from jax.experimental.pallas import tpu as pltpu
from jax.experimental.pallas import tpu_sc as plsc

N_NODES = 10000
N_EDGES = 160000
NPAD = 10240
XW = 128
NW = 32
NWS = 16

GC = 128
GN = (N_EDGES // GC + NW - 1) // NW
SC_C = 800
SC_CHUNKS = N_EDGES // SC_C
SC_KMAX = (SC_CHUNKS + NWS - 1) // NWS

BE = 1600
D48 = 48
DN = 960
DS = 192


def _fidx(k, kind):
    if k == 0:
        return 0
    return 2 * k - 1 if kind == 'cos' else 2 * k


def _neigh_bases():
    def new():
        return np.zeros((5, 3, 3), dtype=np.float64)

    bases = []
    k = new(); k[0, 0, 0] = 1.0; bases.append(k)
    k = new(); k[_fidx(1, 'cos'), 0, 1] = 1.0; k[_fidx(1, 'sin'), 0, 2] = 1.0; bases.append(k)
    k = new(); k[_fidx(1, 'sin'), 0, 1] = 1.0; k[_fidx(1, 'cos'), 0, 2] = -1.0; bases.append(k)
    k = new(); k[_fidx(1, 'cos'), 1, 0] = 1.0; k[_fidx(1, 'sin'), 2, 0] = 1.0; bases.append(k)
    k = new(); k[_fidx(1, 'sin'), 1, 0] = -1.0; k[_fidx(1, 'cos'), 2, 0] = 1.0; bases.append(k)
    k = new(); k[0, 1, 1] = 1.0; k[0, 2, 2] = 1.0; bases.append(k)
    k = new(); k[0, 1, 2] = -1.0; k[0, 2, 1] = 1.0; bases.append(k)
    k = new()
    k[_fidx(2, 'cos'), 1, 1] = 1.0; k[_fidx(2, 'cos'), 2, 2] = -1.0
    k[_fidx(2, 'sin'), 1, 2] = 1.0; k[_fidx(2, 'sin'), 2, 1] = 1.0
    bases.append(k)
    k = new()
    k[_fidx(2, 'cos'), 1, 2] = 1.0; k[_fidx(2, 'cos'), 2, 1] = 1.0
    k[_fidx(2, 'sin'), 1, 1] = -1.0; k[_fidx(2, 'sin'), 2, 2] = 1.0
    bases.append(k)
    return np.stack(bases).astype(np.float32)


def _self_bases():
    bases = []
    k = np.zeros((1, 3, 3)); k[0, 0, 0] = 1.0; bases.append(k)
    k = np.zeros((1, 3, 3)); k[0, 1, 1] = 1.0; k[0, 2, 2] = 1.0; bases.append(k)
    k = np.zeros((1, 3, 3)); k[0, 1, 2] = -1.0; k[0, 2, 1] = 1.0; bases.append(k)
    return np.stack(bases).astype(np.float32)


def _gather_kernel(xpad_hbm, src_hbm, dst_hbm, xi_hbm, xd_hbm,
                   siv, div, ri, rd, sem1, sem2):
    wid = lax.axis_index("s") * 2 + lax.axis_index("c")

    def body(k, _):
        cid = wid + NW * k

        @pl.when(cid < N_EDGES // GC)
        def _():
            off = cid * GC
            pltpu.sync_copy(src_hbm.at[pl.ds(off, GC)], siv)
            pltpu.sync_copy(dst_hbm.at[pl.ds(off, GC)], div)
            a = pltpu.async_copy(xpad_hbm.at[siv], ri, sem1)
            b = pltpu.async_copy(xpad_hbm.at[div], rd, sem2)
            a.wait()
            b.wait()
            pltpu.sync_copy(ri, xi_hbm.at[pl.ds(off, GC)])
            pltpu.sync_copy(rd, xd_hbm.at[pl.ds(off, GC)])

        return 0

    lax.fori_loop(0, GN, body, 0)


def _gather_xy(xpad, src, dst):
    f = functools.partial(
        pl.kernel,
        mesh=plsc.VectorSubcoreMesh(core_axis_name="c", subcore_axis_name="s"),
        out_type=(jax.ShapeDtypeStruct((N_EDGES, XW), jnp.float32),
                  jax.ShapeDtypeStruct((N_EDGES, XW), jnp.float32)),
        scratch_types=[pltpu.VMEM((GC,), jnp.int32),
                       pltpu.VMEM((GC,), jnp.int32),
                       pltpu.VMEM((GC, XW), jnp.float32),
                       pltpu.VMEM((GC, XW), jnp.float32),
                       pltpu.SemaphoreType.DMA,
                       pltpu.SemaphoreType.DMA],
    )(_gather_kernel)
    return f(xpad, src, dst)


def _tc_body(xi_ref, xd_ref, th_ref, pn_ref, ps_ref, wn_ref, ws_ref, pp_ref):
    xd = xd_ref[:, :D48]
    th = th_ref[...]
    c = jnp.cos(th)
    s = jnp.sin(th)
    a = xd[:, 16:32]
    b = xd[:, 32:48]
    xr = jnp.concatenate([xd[:, 0:16], c * a - s * b, s * a + c * b], axis=1)
    pn = pn_ref[...]
    u = jnp.concatenate([pn[:, k:k + 1] * xr for k in range(20)], axis=1)
    yd = jnp.dot(u, wn_ref[...], preferred_element_type=jnp.float32,
                 precision=lax.Precision.DEFAULT)
    xi = xi_ref[:, :D48]
    ps = ps_ref[...]
    us = jnp.concatenate([ps[:, k:k + 1] * xi for k in range(4)], axis=1)
    ys = jnp.dot(us, ws_ref[...], preferred_element_type=jnp.float32,
                 precision=lax.Precision.DEFAULT)
    prod = yd * ys
    h0 = prod[:, 0:8] + prod[:, 16:24] + prod[:, 32:40]
    h1 = prod[:, 8:16] + prod[:, 24:32] + prod[:, 40:48]
    inv = np.float32(1.0 / np.sqrt(24.0))
    p0 = jnp.sum(h0, axis=1, keepdims=True) * inv
    p1 = jnp.sum(h1, axis=1, keepdims=True) * inv
    pp_ref[...] = jnp.concatenate([p0, p1], axis=1)


def _tc_logits(xi, xd, theta, pn20, ps4, wn, ws, interpret=False):
    grid = (N_EDGES // BE,)
    return pl.pallas_call(
        _tc_body,
        grid=grid,
        in_specs=[
            pl.BlockSpec((BE, XW), lambda i: (i, 0)),
            pl.BlockSpec((BE, XW), lambda i: (i, 0)),
            pl.BlockSpec((BE, 1), lambda i: (i, 0)),
            pl.BlockSpec((BE, 20), lambda i: (i, 0)),
            pl.BlockSpec((BE, 4), lambda i: (i, 0)),
            pl.BlockSpec((DN, D48), lambda i: (0, 0)),
            pl.BlockSpec((DS, D48), lambda i: (0, 0)),
        ],
        out_specs=pl.BlockSpec((BE, 2), lambda i: (i, 0)),
        out_shape=jax.ShapeDtypeStruct((N_EDGES, 2), jnp.float32),
        interpret=interpret,
    )(xi, xd, theta, pn20, ps4, wn, ws)



def _softmax_kernel(src_hbm, pp_hbm, ap_hbm, ep_hbm,
                    tmax, tden, mbuf, macc,
                    srcv, ppv, epv, apv,
                    sh, msh, dsh):
    cid = lax.axis_index("c")
    sid = lax.axis_index("s")
    on0 = cid == 0
    NEG = jnp.float32(-3e38)
    lane = lax.iota(jnp.int32, 16)
    m2 = lane < 2
    negfill = jnp.full((16,), NEG, jnp.float32)
    zero = jnp.zeros((16,), jnp.float32)
    degv = jnp.where(lane == 2, jnp.float32(1.0), jnp.float32(0.0))

    @pl.when(on0)
    def _():
        def initm(k, _):
            tmax[pl.ds(k * 16, 16)] = negfill
            return 0

        lax.fori_loop(0, (2 * NPAD + 16) // 16, initm, 0)

        def chunk(k, _):
            ch = sid + NWS * k

            @pl.when(ch < SC_CHUNKS)
            def _():
                off = ch * SC_C
                pltpu.sync_copy(src_hbm.at[pl.ds(off, SC_C)], srcv.at[pl.ds(0, SC_C)])
                pltpu.sync_copy(pp_hbm.at[pl.ds(2 * off, 2 * SC_C)], ppv.at[pl.ds(0, 2 * SC_C)])

                def body(e, _):
                    s = srcv[pl.ds(e, 16)][0]
                    pw = ppv[pl.ds(2 * e, 16)]
                    v = jnp.where(m2, pw, negfill)
                    d = pl.ds(2 * s, 16)
                    tmax[d] = jnp.maximum(tmax[d], v)
                    return 0

                lax.fori_loop(0, SC_C, body, 0)

            return 0

        lax.fori_loop(0, SC_KMAX, chunk, 0)
        pltpu.sync_copy(tmax.at[pl.ds(0, 2 * NPAD)], sh.at[pl.ds(sid * 4 * NPAD, 2 * NPAD)])

    plsc.subcore_barrier()

    @pl.when(on0)
    def _():
        W1 = 2 * NPAD // NWS

        def initacc(k, _):
            macc[pl.ds(k * 16, 16)] = negfill
            return 0

        lax.fori_loop(0, W1 // 16, initacc, 0)

        def mstep(t, _):
            pltpu.sync_copy(sh.at[pl.ds(t * 4 * NPAD + sid * W1, W1)], mbuf.at[pl.ds(0, W1)])

            def vmax(k, _):
                d = pl.ds(k * 16, 16)
                macc[d] = jnp.maximum(macc[d], mbuf[d])
                return 0

            lax.fori_loop(0, W1 // 16, vmax, 0)
            return 0

        lax.fori_loop(0, NWS, mstep, 0)
        pltpu.sync_copy(macc.at[pl.ds(0, W1)], msh.at[pl.ds(sid * W1, W1)])

    plsc.subcore_barrier()

    @pl.when(on0)
    def _():
        pltpu.sync_copy(msh, tmax.at[pl.ds(0, 2 * NPAD)])

        def initd(k, _):
            tden[pl.ds(k * 16, 16)] = zero
            return 0

        lax.fori_loop(0, (4 * NPAD + 16) // 16, initd, 0)

        def chunk(k, _):
            ch = sid + NWS * k

            @pl.when(ch < SC_CHUNKS)
            def _():
                off = ch * SC_C
                pltpu.sync_copy(src_hbm.at[pl.ds(off, SC_C)], srcv.at[pl.ds(0, SC_C)])
                pltpu.sync_copy(pp_hbm.at[pl.ds(2 * off, 2 * SC_C)], ppv.at[pl.ds(0, 2 * SC_C)])

                def body(e, _):
                    s = srcv[pl.ds(e, 16)][0]
                    pw = ppv[pl.ds(2 * e, 16)]
                    mw = tmax[pl.ds(2 * s, 16)]
                    ew = jnp.exp(jnp.where(m2, pw - mw, zero))
                    de = pl.ds(2 * e, 16)
                    cur = epv[de]
                    epv[de] = jnp.where(m2, ew, cur)
                    v = jnp.where(m2, ew, zero) + degv
                    dt = pl.ds(4 * s, 16)
                    tden[dt] = tden[dt] + v
                    return 0

                lax.fori_loop(0, SC_C, body, 0)
                pltpu.sync_copy(epv.at[pl.ds(0, 2 * SC_C)],
                                ep_hbm.at[pl.ds(2 * off, 2 * SC_C)])

            return 0

        lax.fori_loop(0, SC_KMAX, chunk, 0)
        pltpu.sync_copy(tden.at[pl.ds(0, 4 * NPAD)], sh.at[pl.ds(sid * 4 * NPAD, 4 * NPAD)])

    plsc.subcore_barrier()

    @pl.when(on0)
    def _():
        W2 = 4 * NPAD // NWS

        def initacc(k, _):
            macc[pl.ds(k * 16, 16)] = zero
            return 0

        lax.fori_loop(0, W2 // 16, initacc, 0)

        def mstep(t, _):
            pltpu.sync_copy(sh.at[pl.ds(t * 4 * NPAD + sid * W2, W2)], mbuf.at[pl.ds(0, W2)])

            def vadd(k, _):
                d = pl.ds(k * 16, 16)
                macc[d] = macc[d] + mbuf[d]
                return 0

            lax.fori_loop(0, W2 // 16, vadd, 0)
            return 0

        lax.fori_loop(0, NWS, mstep, 0)
        pltpu.sync_copy(macc.at[pl.ds(0, W2)], dsh.at[pl.ds(sid * W2, W2)])

    plsc.subcore_barrier()

    @pl.when(on0)
    def _():
        pltpu.sync_copy(dsh, tden.at[pl.ds(0, 4 * NPAD)])
        eps = jnp.float32(1e-16)

        def chunk(k, _):
            ch = sid + NWS * k

            @pl.when(ch < SC_CHUNKS)
            def _():
                off = ch * SC_C
                pltpu.sync_copy(src_hbm.at[pl.ds(off, SC_C)], srcv.at[pl.ds(0, SC_C)])
                pltpu.sync_copy(ep_hbm.at[pl.ds(2 * off, 2 * SC_C)], epv.at[pl.ds(0, 2 * SC_C)])

                def body(e, _):
                    s = srcv[pl.ds(e, 16)][0]
                    dw = tden[pl.ds(4 * s, 16)]
                    deg = dw[2]
                    ew = epv[pl.ds(2 * e, 16)]
                    aw = deg * ew / (dw + eps)
                    de = pl.ds(2 * e, 16)
                    cur = apv[de]
                    apv[de] = jnp.where(m2, aw, cur)
                    return 0

                lax.fori_loop(0, SC_C, body, 0)
                pltpu.sync_copy(apv.at[pl.ds(0, 2 * SC_C)],
                                ap_hbm.at[pl.ds(2 * off, 2 * SC_C)])

            return 0

        lax.fori_loop(0, SC_KMAX, chunk, 0)


def _softmax(src, pp):
    f = functools.partial(
        pl.kernel,
        mesh=plsc.VectorSubcoreMesh(core_axis_name="c", subcore_axis_name="s"),
        out_type=(jax.ShapeDtypeStruct((2 * N_EDGES,), jnp.float32),
                  jax.ShapeDtypeStruct((2 * N_EDGES,), jnp.float32)),
        scratch_types=[pltpu.VMEM((2 * NPAD + 16,), jnp.float32),
                       pltpu.VMEM((4 * NPAD + 16,), jnp.float32),
                       pltpu.VMEM((4 * NPAD // NWS,), jnp.float32),
                       pltpu.VMEM((4 * NPAD // NWS,), jnp.float32),
                       pltpu.VMEM((SC_C + 16,), jnp.int32),
                       pltpu.VMEM((2 * SC_C + 16,), jnp.float32),
                       pltpu.VMEM((2 * SC_C + 16,), jnp.float32),
                       pltpu.VMEM((2 * SC_C + 16,), jnp.float32),
                       pltpu.VMEM_SHARED((NWS * 4 * NPAD,), jnp.float32),
                       pltpu.VMEM_SHARED((2 * NPAD,), jnp.float32),
                       pltpu.VMEM_SHARED((4 * NPAD,), jnp.float32)],
    )(_softmax_kernel)
    return f(src, pp)


def _weights(neigh_weight, self_weight):
    nk = jnp.asarray(_neigh_bases())
    sk = jnp.asarray(_self_bases())
    wn = jnp.einsum('bfnm,brij->frmjni', nk, neigh_weight).reshape(20, 48, 48)
    wn = wn.reshape(DN, D48)
    ws = jnp.einsum('bnm,brij->rmjni', sk[:, 0], self_weight).reshape(4, 48, 48)
    ws = ws.reshape(DS, D48)
    return wn, ws


def kernel(x, edge_index, precomp_neigh, precomp_self, connection,
           self_weight, neigh_weight):
    wn, ws = _weights(neigh_weight, self_weight)
    x48 = x.transpose(0, 2, 1).reshape(N_NODES, D48)
    xpad = jnp.zeros((N_NODES, XW), jnp.float32).at[:, :D48].set(x48)
    src = edge_index[0]
    dst = edge_index[1]
    theta = connection.reshape(N_EDGES, 1)
    pn20 = precomp_neigh[:, :5].reshape(N_EDGES, 20)
    ps4 = precomp_self.reshape(N_EDGES, 4)
    xi, xd = _gather_xy(xpad, src, dst)
    pp = _tc_logits(xi, xd, theta, pn20, ps4, wn, ws)
    ap, _ = _softmax(src, pp.reshape(2 * N_EDGES))
    return ap.reshape(N_EDGES, 2)

# --- scband reference (transcript-rebuilt; emitter-appended) ---
"""Pipeline reference for scband-eman-att-layer-13005160972937 (READ-ONLY COPY).

The authoritative reference and input builder live on the scoring server;
editing this copy changes nothing except your own understanding.
"""

import jax, jax.numpy as jnp
import numpy as np

N_NODES = 10000
N_EDGES = 160000
IN_CHANNELS = 16
OUT_CHANNELS = 16
IN_ORDER = 1
OUT_ORDER = 1
N_RINGS = 4
N_HEADS = 2
BAND_LIMIT = None
CHUNK = 10000


def _fi(k, kind):
    if k == 0:
        return 0
    return 2 * k - 1 if kind == 'cos' else 2 * k


def build_kernel(in_order, out_order, band_limit=None):
    L = band_limit if band_limit is not None else in_order + out_order
    F = 2 * L + 1
    dim_in = 2 * in_order + 1
    dim_out = 2 * out_order + 1

    def off(o):
        return [0] if o == 0 else [2 * o - 1, 2 * o]

    def new():
        return np.zeros((F, dim_out, dim_in), dtype=np.float64)

    bases = []
    for n in range(out_order + 1):
        for m in range(in_order + 1):
            ro = off(n)
            ci = off(m)
            if n == 0 and m == 0:
                k = new(); k[0, 0, 0] = 1.0; bases.append(k)
            elif n == 0:
                if m <= L:
                    k = new(); k[_fi(m, 'cos'), 0, ci[0]] = 1.0; k[_fi(m, 'sin'), 0, ci[1]] = 1.0; bases.append(k)
                    k = new(); k[_fi(m, 'sin'), 0, ci[0]] = 1.0; k[_fi(m, 'cos'), 0, ci[1]] = -1.0; bases.append(k)
            elif m == 0:
                if n <= L:
                    k = new(); k[_fi(n, 'cos'), ro[0], 0] = 1.0; k[_fi(n, 'sin'), ro[1], 0] = 1.0; bases.append(k)
                    k = new(); k[_fi(n, 'sin'), ro[0], 0] = -1.0; k[_fi(n, 'cos'), ro[1], 0] = 1.0; bases.append(k)
            else:
                d = n - m
                a = abs(d)
                s = 1.0 if d >= 0 else -1.0
                if a <= L:
                    if a == 0:
                        k = new(); k[0, ro[0], ci[0]] = 1.0; k[0, ro[1], ci[1]] = 1.0; bases.append(k)
                        k = new(); k[0, ro[0], ci[1]] = -1.0; k[0, ro[1], ci[0]] = 1.0; bases.append(k)
                    else:
                        k = new()
                        k[_fi(a, 'cos'), ro[0], ci[0]] = 1.0; k[_fi(a, 'cos'), ro[1], ci[1]] = 1.0
                        k[_fi(a, 'sin'), ro[0], ci[1]] = -s; k[_fi(a, 'sin'), ro[1], ci[0]] = s
                        bases.append(k)
                        k = new()
                        k[_fi(a, 'cos'), ro[0], ci[1]] = -1.0; k[_fi(a, 'cos'), ro[1], ci[0]] = 1.0
                        k[_fi(a, 'sin'), ro[0], ci[0]] = -s; k[_fi(a, 'sin'), ro[1], ci[1]] = -s
                        bases.append(k)
                K = n + m
                if K <= L:
                    k = new()
                    k[_fi(K, 'cos'), ro[0], ci[0]] = 1.0; k[_fi(K, 'cos'), ro[1], ci[1]] = -1.0
                    k[_fi(K, 'sin'), ro[0], ci[1]] = 1.0; k[_fi(K, 'sin'), ro[1], ci[0]] = 1.0
                    bases.append(k)
                    k = new()
                    k[_fi(K, 'cos'), ro[0], ci[1]] = 1.0; k[_fi(K, 'cos'), ro[1], ci[0]] = 1.0
                    k[_fi(K, 'sin'), ro[0], ci[0]] = -1.0; k[_fi(K, 'sin'), ro[1], ci[1]] = 1.0
                    bases.append(k)
    return np.stack(bases).astype(np.float32)


def build_self_kernel(in_order, out_order, band_limit=None):
    dim_in = 2 * in_order + 1
    dim_out = 2 * out_order + 1
    bases = []
    k = np.zeros((1, dim_out, dim_in), dtype=np.float64); k[0, 0, 0] = 1.0; bases.append(k)
    for o in range(1, min(in_order, out_order) + 1):
        r0, r1 = 2 * o - 1, 2 * o
        k = np.zeros((1, dim_out, dim_in), dtype=np.float64); k[0, r0, r0] = 1.0; k[0, r1, r1] = 1.0; bases.append(k)
        k = np.zeros((1, dim_out, dim_in), dtype=np.float64); k[0, r0, r1] = -1.0; k[0, r1, r0] = 1.0; bases.append(k)
    return np.stack(bases).astype(np.float32)


def rep_act(x, theta, order):
    # rotate each order-k irrep block by angle k*theta (parallel transport)
    parts = [x[..., 0:1]]
    for k in range(1, order + 1):
        a = x[..., 2 * k - 1]
        b = x[..., 2 * k]
        c = jnp.cos(k * theta)[:, None]
        s = jnp.sin(k * theta)[:, None]
        parts.append((c * a - s * b)[..., None])
        parts.append((s * a + c * b)[..., None])
    return jnp.concatenate(parts, axis=-1)


def _branch(x_e, P, kernel, weight):
    E = x_e.shape[0]
    n_chunks = E // CHUNK
    xs = x_e.reshape((n_chunks, CHUNK) + x_e.shape[1:])
    ps = P.reshape((n_chunks, CHUNK) + P.shape[1:])

    def f(c):
        xc, pc = c
        return jnp.einsum('ejm,efr,bfnm,brij->ein', xc, pc, kernel, weight)

    ys = jax.lax.map(f, (xs, ps))
    return ys.reshape((E,) + ys.shape[2:])


def setup_inputs(seed: int = 0):
    key = jax.random.key(seed)
    k1, k2, k3, k4, k5, k6, k7 = jax.random.split(key, 7)
    neigh_kernel = build_kernel(IN_ORDER, OUT_ORDER, BAND_LIMIT)
    self_kernel = build_self_kernel(IN_ORDER, OUT_ORDER, BAND_LIMIT)
    x = jax.random.normal(k1, (N_NODES, IN_CHANNELS, 2 * IN_ORDER + 1), dtype=jnp.float32)
    edge_index = jax.random.randint(k2, (2, N_EDGES), 0, N_NODES, dtype=jnp.int32)
    precomp_neigh = jax.random.normal(k3, (N_EDGES, neigh_kernel.shape[1], N_RINGS), dtype=jnp.float32)
    precomp_self = jax.random.normal(k4, (N_EDGES, self_kernel.shape[1], N_RINGS), dtype=jnp.float32)
    connection = jax.random.uniform(k5, (N_EDGES,), dtype=jnp.float32) * (2.0 * np.pi)
    scale = 1.0 / np.sqrt(N_RINGS * IN_CHANNELS)
    self_weight = jax.random.normal(k6, (self_kernel.shape[0], N_RINGS, OUT_CHANNELS, IN_CHANNELS), dtype=jnp.float32) * scale
    neigh_weight = jax.random.normal(k7, (neigh_kernel.shape[0], N_RINGS, OUT_CHANNELS, IN_CHANNELS), dtype=jnp.float32) * scale
    return {'x': x, 'edge_index': edge_index, 'precomp_neigh': precomp_neigh, 'precomp_self': precomp_self,
            'connection': connection, 'self_weight': self_weight, 'neigh_weight': neigh_weight}


def reference(x, edge_index, precomp_neigh, precomp_self, connection, self_weight, neigh_weight):
    neigh_kernel = jnp.asarray(build_kernel(IN_ORDER, OUT_ORDER, BAND_LIMIT))
    self_kernel = jnp.asarray(build_self_kernel(IN_ORDER, OUT_ORDER, BAND_LIMIT))
    precomp_neigh = precomp_neigh[:, :neigh_kernel.shape[1]]
    src = edge_index[0]
    dst = edge_index[1]
    x_i = x[src]
    x_j = x[dst]
    x_j_t = rep_act(x_j, connection, IN_ORDER)
    E = x_j.shape[0]
    y_dst = _branch(x_j_t, precomp_neigh, neigh_kernel, neigh_weight).reshape(E, N_HEADS, -1)
    y_src = _branch(x_i, precomp_self, self_kernel, self_weight).reshape(E, N_HEADS, -1)
    d_k = OUT_CHANNELS * (2 * OUT_ORDER + 1) // N_HEADS
    prods = jnp.sum(y_src * y_dst, axis=2) / np.sqrt(d_k)
    ones = jnp.ones((E,), dtype=prods.dtype)
    deg = jax.ops.segment_sum(ones, src, num_segments=N_NODES)[src][:, None]
    seg_max = jax.ops.segment_max(prods, src, num_segments=N_NODES)
    ex = jnp.exp(prods - seg_max[src])
    denom = jax.ops.segment_sum(ex, src, num_segments=N_NODES)[src]
    attention = deg * (ex / (denom + 1e-16))
    return attention

if __name__ == "__main__":
    import jax
    _d = setup_inputs()
    print(jax.jit(kernel)(*tuple(_d.values())))

</pallas_src>

<mosaic_0001>
#map = affine_map<(d0, d1) -> (0, 0)>
#map1 = affine_map<(d0, d1) -> (0)>
module attributes {stable_mosaic.version = 14 : i64} {
  func.func @_gather_kernel(%arg0: i32, %arg1: i32, %arg2: memref<10000x128xf32, #tpu.memory_space<hbm>>, %arg3: memref<160000xi32, #tpu.memory_space<hbm>>, %arg4: memref<160000xi32, #tpu.memory_space<hbm>>, %arg5: memref<160000x128xf32, #tpu.memory_space<hbm>>, %arg6: memref<160000x128xf32, #tpu.memory_space<hbm>>, %arg7: memref<128xi32, #tpu.memory_space<vmem>>, %arg8: memref<128xi32, #tpu.memory_space<vmem>>, %arg9: memref<128x128xf32, #tpu.memory_space<vmem>>, %arg10: memref<128x128xf32, #tpu.memory_space<vmem>>, %arg11: memref<!tpu.dma_semaphore, #tpu.memory_space<semaphore_mem>>, %arg12: memref<!tpu.dma_semaphore, #tpu.memory_space<semaphore_mem>>) attributes {dimension_semantics = [#tpu.dimension_semantics<core_parallel>, #tpu.dimension_semantics<subcore_parallel>], iteration_bounds = array<i64: 2, 16>, scalar_prefetch = 0 : i64, scratch_operands = 6 : i64, tpu.core_type = #tpu.core_type<sc_vector_subcore>, window_params = [{transform_indices = #map}, {transform_indices = #map1}, {transform_indices = #map1}, {transform_indices = #map}, {transform_indices = #map}]} {
    %mul3A = arith.constant 2 : i32
    %mul3A_0 = arith.muli %arg1, %mul3A : i32
    %add3A = arith.addi %mul3A_0, %arg0 : i32
    %scan3A = arith.constant 0 : i32
    %scan3A_1 = arith.constant 0 : i32
    %scan3A_2 = arith.constant 40 : i32
    %scan3A_3 = arith.addi %scan3A_1, %scan3A_2 : i32
    %scan3A_4 = arith.constant 1 : i32
    %scan3A_5 = scf.for %scan3A_7 = %scan3A_1 to %scan3A_3 step %scan3A_4 iter_args(%scan3A_8 = %scan3A) -> (i32)  : i32 {
      %mul3A_9 = arith.constant 32 : i32
      %mul3A_10 = arith.muli %mul3A_9, %scan3A_7 : i32
      %add3A_11 = arith.addi %add3A, %mul3A_10 : i32
      %lt3A = arith.constant 1250 : i32
      %lt3A_12 = arith.cmpi slt, %add3A_11, %lt3A : i32
      %convert_element_type3A = arith.extui %lt3A_12 : i1 to i32
      %cond3A = arith.constant 0 : i32
      %cond3A_13 = arith.cmpi ne, %convert_element_type3A, %cond3A : i32
      scf.if %cond3A_13 {
        %mul3A_15 = arith.constant 128 : i32
        %mul3A_16 = arith.muli %add3A_11, %mul3A_15 : i32
        "tpu.region"() ({
          %run_scoped3A = tpu.sem_alloc : memref<!tpu.dma_semaphore, #tpu.memory_space<semaphore_mem>>
          %dma_start3A_27 = tpu.memref_slice %arg3[%mul3A_16] : memref<160000xi32, #tpu.memory_space<hbm>> -> memref<128xi32, #tpu.memory_space<hbm>>
          %dma_start3A_28 = tpu.memref_slice %arg3[%mul3A_16] : memref<160000xi32, #tpu.memory_space<hbm>> -> memref<128xi32, #tpu.memory_space<hbm>>
          tpu.enqueue_dma source(%dma_start3A_28 : memref<128xi32, #tpu.memory_space<hbm>>) target(%arg7 : memref<128xi32, #tpu.memory_space<vmem>>) target_semaphore(%run_scoped3A : memref<!tpu.dma_semaphore, #tpu.memory_space<semaphore_mem>>)
          %dma_wait3A_29 = tpu.memref_slice %arg3[%mul3A_16] : memref<160000xi32, #tpu.memory_space<hbm>> -> memref<128xi32, #tpu.memory_space<hbm>>
          %dma_wait3A_30 = tpu.memref_slice %arg3[%mul3A_16] : memref<160000xi32, #tpu.memory_space<hbm>> -> memref<128xi32, #tpu.memory_space<hbm>>
          tpu.wait_dma2 semaphore(%run_scoped3A : memref<!tpu.dma_semaphore, #tpu.memory_space<semaphore_mem>>) src(%dma_wait3A_30 : memref<128xi32, #tpu.memory_space<hbm>>) dst(%arg7 : memref<128xi32, #tpu.memory_space<vmem>>)
          tpu.yield
        }) : () -> ()
        "tpu.region"() ({
          %run_scoped3A = tpu.sem_alloc : memref<!tpu.dma_semaphore, #tpu.memory_space<semaphore_mem>>
          %dma_start3A_27 = tpu.memref_slice %arg4[%mul3A_16] : memref<160000xi32, #tpu.memory_space<hbm>> -> memref<128xi32, #tpu.memory_space<hbm>>
          %dma_start3A_28 = tpu.memref_slice %arg4[%mul3A_16] : memref<160000xi32, #tpu.memory_space<hbm>> -> memref<128xi32, #tpu.memory_space<hbm>>
          tpu.enqueue_dma source(%dma_start3A_28 : memref<128xi32, #tpu.memory_space<hbm>>) target(%arg8 : memref<128xi32, #tpu.memory_space<vmem>>) target_semaphore(%run_scoped3A : memref<!tpu.dma_semaphore, #tpu.memory_space<semaphore_mem>>)
          %dma_wait3A_29 = tpu.memref_slice %arg4[%mul3A_16] : memref<160000xi32, #tpu.memory_space<hbm>> -> memref<128xi32, #tpu.memory_space<hbm>>
          %dma_wait3A_30 = tpu.memref_slice %arg4[%mul3A_16] : memref<160000xi32, #tpu.memory_space<hbm>> -> memref<128xi32, #tpu.memory_space<hbm>>
          tpu.wait_dma2 semaphore(%run_scoped3A : memref<!tpu.dma_semaphore, #tpu.memory_space<semaphore_mem>>) src(%dma_wait3A_30 : memref<128xi32, #tpu.memory_space<hbm>>) dst(%arg8 : memref<128xi32, #tpu.memory_space<vmem>>)
          tpu.yield
        }) : () -> ()
        %dma_start3A = arith.constant 0 : i32
        %dma_start3A_17 = arith.constant 0 : i32
        %dma_start3A_18 = tpu.memref_slice %arg2[%dma_start3A, %dma_start3A_17] : memref<10000x128xf32, #tpu.memory_space<hbm>> -> memref<10000x128xf32, #tpu.memory_space<hbm>>
        tpu.enqueue_indirect_dma source(%dma_start3A_18 : memref<10000x128xf32, #tpu.memory_space<hbm>>) target(%arg9 : memref<128x128xf32, #tpu.memory_space<vmem>>) offsets(%arg7 : memref<128xi32, #tpu.memory_space<vmem>>) semaphore(%arg11 : memref<!tpu.dma_semaphore, #tpu.memory_space<semaphore_mem>>)
        %dma_start3A_19 = arith.constant 0 : i32
        %dma_start3A_20 = arith.constant 0 : i32
        %dma_start3A_21 = tpu.memref_slice %arg2[%dma_start3A_19, %dma_start3A_20] : memref<10000x128xf32, #tpu.memory_space<hbm>> -> memref<10000x128xf32, #tpu.memory_space<hbm>>
        tpu.enqueue_indirect_dma source(%dma_start3A_21 : memref<10000x128xf32, #tpu.memory_space<hbm>>) target(%arg10 : memref<128x128xf32, #tpu.memory_space<vmem>>) offsets(%arg8 : memref<128xi32, #tpu.memory_space<vmem>>) semaphore(%arg12 : memref<!tpu.dma_semaphore, #tpu.memory_space<semaphore_mem>>)
        %dma_wait3A = arith.constant 0 : i32
        %dma_wait3A_22 = arith.constant 0 : i32
        %dma_wait3A_23 = tpu.memref_slice %arg2[%dma_wait3A, %dma_wait3A_22] : memref<10000x128xf32, #tpu.memory_space<hbm>> -> memref<10000x128xf32, #tpu.memory_space<hbm>>
        tpu.wait_indirect_dma semaphore(%arg11 : memref<!tpu.dma_semaphore, #tpu.memory_space<semaphore_mem>>) src(%dma_wait3A_23 : memref<10000x128xf32, #tpu.memory_space<hbm>>) dst(%arg9 : memref<128x128xf32, #tpu.memory_space<vmem>>)
        %dma_wait3A_24 = arith.constant 0 : i32
        %dma_wait3A_25 = arith.constant 0 : i32
        %dma_wait3A_26 = tpu.memref_slice %arg2[%dma_wait3A_24, %dma_wait3A_25] : memref<10000x128xf32, #tpu.memory_space<hbm>> -> memref<10000x128xf32, #tpu.memory_space<hbm>>
        tpu.wait_indirect_dma semaphore(%arg12 : memref<!tpu.dma_semaphore, #tpu.memory_space<semaphore_mem>>) src(%dma_wait3A_26 : memref<10000x128xf32, #tpu.memory_space<hbm>>) dst(%arg10 : memref<128x128xf32, #tpu.memory_space<vmem>>)
        "tpu.region"() ({
          %run_scoped3A = tpu.sem_alloc : memref<!tpu.dma_semaphore, #tpu.memory_space<semaphore_mem>>
          %dma_start3A_27 = arith.constant 0 : i32
          %dma_start3A_28 = tpu.memref_slice %arg5[%mul3A_16, %dma_start3A_27] : memref<160000x128xf32, #tpu.memory_space<hbm>> -> memref<128x128xf32, #tpu.memory_space<hbm>>
          %dma_start3A_29 = arith.constant 0 : i32
          %dma_start3A_30 = tpu.memref_slice %arg5[%mul3A_16, %dma_start3A_29] : memref<160000x128xf32, #tpu.memory_space<hbm>> -> memref<128x128xf32, #tpu.memory_space<hbm>>
          tpu.enqueue_dma source(%arg9 : memref<128x128xf32, #tpu.memory_space<vmem>>) target(%dma_start3A_30 : memref<128x128xf32, #tpu.memory_space<hbm>>) target_semaphore(%run_scoped3A : memref<!tpu.dma_semaphore, #tpu.memory_space<semaphore_mem>>)
          %dma_wait3A_31 = arith.constant 0 : i32
          %dma_wait3A_32 = tpu.memref_slice %arg5[%mul3A_16, %dma_wait3A_31] : memref<160000x128xf32, #tpu.memory_space<hbm>> -> memref<128x128xf32, #tpu.memory_space<hbm>>
          %dma_wait3A_33 = arith.constant 0 : i32
          %dma_wait3A_34 = tpu.memref_slice %arg5[%mul3A_16, %dma_wait3A_33] : memref<160000x128xf32, #tpu.memory_space<hbm>> -> memref<128x128xf32, #tpu.memory_space<hbm>>
          tpu.wait_dma2 semaphore(%run_scoped3A : memref<!tpu.dma_semaphore, #tpu.memory_space<semaphore_mem>>) src(%arg9 : memref<128x128xf32, #tpu.memory_space<vmem>>) dst(%dma_wait3A_34 : memref<128x128xf32, #tpu.memory_space<hbm>>)
          tpu.yield
        }) : () -> ()
        "tpu.region"() ({
          %run_scoped3A = tpu.sem_alloc : memref<!tpu.dma_semaphore, #tpu.memory_space<semaphore_mem>>
          %dma_start3A_27 = arith.constant 0 : i32
          %dma_start3A_28 = tpu.memref_slice %arg6[%mul3A_16, %dma_start3A_27] : memref<160000x128xf32, #tpu.memory_space<hbm>> -> memref<128x128xf32, #tpu.memory_space<hbm>>
          %dma_start3A_29 = arith.constant 0 : i32
          %dma_start3A_30 = tpu.memref_slice %arg6[%mul3A_16, %dma_start3A_29] : memref<160000x128xf32, #tpu.memory_space<hbm>> -> memref<128x128xf32, #tpu.memory_space<hbm>>
          tpu.enqueue_dma source(%arg10 : memref<128x128xf32, #tpu.memory_space<vmem>>) target(%dma_start3A_30 : memref<128x128xf32, #tpu.memory_space<hbm>>) target_semaphore(%run_scoped3A : memref<!tpu.dma_semaphore, #tpu.memory_space<semaphore_mem>>)
          %dma_wait3A_31 = arith.constant 0 : i32
          %dma_wait3A_32 = tpu.memref_slice %arg6[%mul3A_16, %dma_wait3A_31] : memref<160000x128xf32, #tpu.memory_space<hbm>> -> memref<128x128xf32, #tpu.memory_space<hbm>>
          %dma_wait3A_33 = arith.constant 0 : i32
          %dma_wait3A_34 = tpu.memref_slice %arg6[%mul3A_16, %dma_wait3A_33] : memref<160000x128xf32, #tpu.memory_space<hbm>> -> memref<128x128xf32, #tpu.memory_space<hbm>>
          tpu.wait_dma2 semaphore(%run_scoped3A : memref<!tpu.dma_semaphore, #tpu.memory_space<semaphore_mem>>) src(%arg10 : memref<128x128xf32, #tpu.memory_space<vmem>>) dst(%dma_wait3A_34 : memref<128x128xf32, #tpu.memory_space<hbm>>)
          tpu.yield
        }) : () -> ()
      } else {
      }
      %scan3A_14 = arith.constant 0 : i32
      scf.yield %scan3A_14 : i32
    }
    %scan3A_6 = arith.constant 40 : i32
    return
  }
}

#map = affine_map<(d0, d1) -> (0)>
module attributes {stable_mosaic.version = 14 : i64} {
  func.func @_softmax_kernel(%arg0: i32, %arg1: i32, %arg2: memref<160000xi32, #tpu.memory_space<hbm>>, %arg3: memref<320000xf32, #tpu.memory_space<hbm>>, %arg4: memref<320000xf32, #tpu.memory_space<hbm>>, %arg5: memref<320000xf32, #tpu.memory_space<hbm>>, %arg6: memref<20496xf32, #tpu.memory_space<vmem>>, %arg7: memref<40976xf32, #tpu.memory_space<vmem>>, %arg8: memref<2560xf32, #tpu.memory_space<vmem>>, %arg9: memref<2560xf32, #tpu.memory_space<vmem>>, %arg10: memref<816xi32, #tpu.memory_space<vmem>>, %arg11: memref<1616xf32, #tpu.memory_space<vmem>>, %arg12: memref<1616xf32, #tpu.memory_space<vmem>>, %arg13: memref<1616xf32, #tpu.memory_space<vmem>>, %arg14: memref<655360xf32, #tpu.memory_space<vmem_shared>>, %arg15: memref<20480xf32, #tpu.memory_space<vmem_shared>>, %arg16: memref<40960xf32, #tpu.memory_space<vmem_shared>>) attributes {dimension_semantics = [#tpu.dimension_semantics<core_parallel>, #tpu.dimension_semantics<subcore_parallel>], iteration_bounds = array<i64: 2, 16>, scalar_prefetch = 0 : i64, scratch_operands = 11 : i64, tpu.core_type = #tpu.core_type<sc_vector_subcore>, window_params = [{transform_indices = #map}, {transform_indices = #map}, {transform_indices = #map}, {transform_indices = #map}]} {
    %eq3A = arith.constant 0 : i32
    %eq3A_0 = arith.cmpi eq, %arg0, %eq3A : i32
    %iota3A = tpu.iota {dimensions = array<i32: 0>} : vector<16xi32>
    %lt3A = arith.constant 2 : i32
    %lt3A_1 = vector.broadcast %lt3A : i32 to vector<16xi32>
    %lt3A_2 = arith.cmpi slt, %iota3A, %lt3A_1 : vector<16xi32>
    %broadcast_in_dim3A = arith.constant -3.000000e+38 : f32
    %broadcast_in_dim3A_3 = vector.broadcast %broadcast_in_dim3A : f32 to vector<16xf32>
    %broadcast_in_dim3A_4 = arith.constant 0.000000e+00 : f32
    %broadcast_in_dim3A_5 = vector.broadcast %broadcast_in_dim3A_4 : f32 to vector<16xf32>
    %eq3A_6 = arith.constant 2 : i32
    %eq3A_7 = vector.broadcast %eq3A_6 : i32 to vector<16xi32>
    %eq3A_8 = arith.cmpi eq, %iota3A, %eq3A_7 : vector<16xi32>
    %jit3A = arith.constant 1.000000e+00 : f32
    %jit3A_9 = arith.constant 0.000000e+00 : f32
    %broadcast_in_dim3A_10 = vector.broadcast %jit3A : f32 to vector<16xf32>
    %broadcast_in_dim3A_11 = vector.broadcast %jit3A_9 : f32 to vector<16xf32>
    %select_n3A = arith.select %eq3A_8, %broadcast_in_dim3A_10, %broadcast_in_dim3A_11 : vector<16xi1>, vector<16xf32>
    %convert_element_type3A = arith.extui %eq3A_0 : i1 to i32
    %cond3A = arith.constant 0 : i32
    %cond3A_12 = arith.cmpi ne, %convert_element_type3A, %cond3A : i32
    scf.if %cond3A_12 {
      %scan3A = arith.constant 0 : i32
      %scan3A_28 = arith.constant 0 : i32
      %scan3A_29 = arith.constant 1281 : i32
      %scan3A_30 = arith.addi %scan3A_28, %scan3A_29 : i32
      %scan3A_31 = arith.constant 1 : i32
      %scan3A_32 = scf.for %scan3A_44 = %scan3A_28 to %scan3A_30 step %scan3A_31 iter_args(%scan3A_45 = %scan3A) -> (i32)  : i32 {
        %mul3A_46 = arith.constant 16 : i32
        %mul3A_47 = arith.muli %scan3A_44, %mul3A_46 : i32
        %swap3A = arith.index_cast %mul3A_47 : i32 to index
        %swap3A_48 = tpu.vector_load %arg6[%swap3A] {strides = array<i32>} : memref<20496xf32, #tpu.memory_space<vmem>>, vector<16xf32>,
        %swap3A_49 = vector.shape_cast %swap3A_48 : vector<16xf32> to vector<16xf32>
        %swap3A_50 = vector.shape_cast %broadcast_in_dim3A_3 : vector<16xf32> to vector<16xf32>
        tpu.vector_store %arg6[%swap3A], %swap3A_50 {strides = array<i32>} : memref<20496xf32, #tpu.memory_space<vmem>>, vector<16xf32>,
        %scan3A_51 = arith.constant 0 : i32
        scf.yield %scan3A_51 : i32
      }
      %scan3A_33 = arith.constant 1281 : i32
      %scan3A_34 = arith.constant 0 : i32
      %scan3A_35 = arith.constant 0 : i32
      %scan3A_36 = arith.constant 13 : i32
      %scan3A_37 = arith.addi %scan3A_35, %scan3A_36 : i32
      %scan3A_38 = arith.constant 1 : i32
      %scan3A_39 = scf.for %scan3A_44 = %scan3A_35 to %scan3A_37 step %scan3A_38 iter_args(%scan3A_45 = %scan3A_34) -> (i32)  : i32 {
        %mul3A_46 = arith.constant 16 : i32
        %mul3A_47 = arith.muli %mul3A_46, %scan3A_44 : i32
        %add3A = arith.addi %arg1, %mul3A_47 : i32
        %lt3A_48 = arith.constant 200 : i32
        %lt3A_49 = arith.cmpi slt, %add3A, %lt3A_48 : i32
        %convert_element_type3A_50 = arith.extui %lt3A_49 : i1 to i32
        %cond3A_51 = arith.constant 0 : i32
        %cond3A_52 = arith.cmpi ne, %convert_element_type3A_50, %cond3A_51 : i32
        scf.if %cond3A_52 {
          %mul3A_54 = arith.constant 800 : i32
          %mul3A_55 = arith.muli %add3A, %mul3A_54 : i32
          "tpu.region"() ({
            %run_scoped3A = tpu.sem_alloc : memref<!tpu.dma_semaphore, #tpu.memory_space<semaphore_mem>>
            %dma_start3A = arith.constant 0 : i32
            %dma_start3A_65 = tpu.memref_slice %arg10[%dma_start3A] : memref<816xi32, #tpu.memory_space<vmem>> -> memref<800xi32, #tpu.memory_space<vmem>>
            %dma_start3A_66 = tpu.memref_slice %arg2[%mul3A_55] : memref<160000xi32, #tpu.memory_space<hbm>> -> memref<800xi32, #tpu.memory_space<hbm>>
            %dma_start3A_67 = arith.constant 0 : i32
            %dma_start3A_68 = tpu.memref_slice %arg10[%dma_start3A_67] : memref<816xi32, #tpu.memory_space<vmem>> -> memref<800xi32, #tpu.memory_space<vmem>>
            %dma_start3A_69 = tpu.memref_slice %arg2[%mul3A_55] : memref<160000xi32, #tpu.memory_space<hbm>> -> memref<800xi32, #tpu.memory_space<hbm>>
            tpu.enqueue_dma source(%dma_start3A_69 : memref<800xi32, #tpu.memory_space<hbm>>) target(%dma_start3A_68 : memref<800xi32, #tpu.memory_space<vmem>>) target_semaphore(%run_scoped3A : memref<!tpu.dma_semaphore, #tpu.memory_space<semaphore_mem>>)
            %dma_wait3A = arith.constant 0 : i32
            %dma_wait3A_70 = tpu.memref_slice %arg10[%dma_wait3A] : memref<816xi32, #tpu.memory_space<vmem>> -> memref<800xi32, #tpu.memory_space<vmem>>
            %dma_wait3A_71 = tpu.memref_slice %arg2[%mul3A_55] : memref<160000xi32, #tpu.memory_space<hbm>> -> memref<800xi32, #tpu.memory_space<hbm>>
            %dma_wait3A_72 = arith.constant 0 : i32
            %dma_wait3A_73 = tpu.memref_slice %arg10[%dma_wait3A_72] : memref<816xi32, #tpu.memory_space<vmem>> -> memref<800xi32, #tpu.memory_space<vmem>>
            %dma_wait3A_74 = tpu.memref_slice %arg2[%mul3A_55] : memref<160000xi32, #tpu.memory_space<hbm>> -> memref<800xi32, #tpu.memory_space<hbm>>
            tpu.wait_dma2 semaphore(%run_scoped3A : memref<!tpu.dma_semaphore, #tpu.memory_space<semaphore_mem>>) src(%dma_wait3A_74 : memref<800xi32, #tpu.memory_space<hbm>>) dst(%dma_wait3A_73 : memref<800xi32, #tpu.memory_space<vmem>>)
            tpu.yield
          }) : () -> ()
          %mul3A_56 = arith.constant 2 : i32
          %mul3A_57 = arith.muli %mul3A_56, %mul3A_55 : i32
          "tpu.region"() ({
            %run_scoped3A = tpu.sem_alloc : memref<!tpu.dma_semaphore, #tpu.memory_space<semaphore_mem>>
            %dma_start3A = arith.constant 0 : i32
            %dma_start3A_65 = tpu.memref_slice %arg11[%dma_start3A] : memref<1616xf32, #tpu.memory_space<vmem>> -> memref<1600xf32, #tpu.memory_space<vmem>>
            %dma_start3A_66 = tpu.memref_slice %arg3[%mul3A_57] : memref<320000xf32, #tpu.memory_space<hbm>> -> memref<1600xf32, #tpu.memory_space<hbm>>
            %dma_start3A_67 = arith.constant 0 : i32
            %dma_start3A_68 = tpu.memref_slice %arg11[%dma_start3A_67] : memref<1616xf32, #tpu.memory_space<vmem>> -> memref<1600xf32, #tpu.memory_space<vmem>>
            %dma_start3A_69 = tpu.memref_slice %arg3[%mul3A_57] : memref<320000xf32, #tpu.memory_space<hbm>> -> memref<1600xf32, #tpu.memory_space<hbm>>
            tpu.enqueue_dma source(%dma_start3A_69 : memref<1600xf32, #tpu.memory_space<hbm>>) target(%dma_start3A_68 : memref<1600xf32, #tpu.memory_space<vmem>>) target_semaphore(%run_scoped3A : memref<!tpu.dma_semaphore, #tpu.memory_space<semaphore_mem>>)
            %dma_wait3A = arith.constant 0 : i32
            %dma_wait3A_70 = tpu.memref_slice %arg11[%dma_wait3A] : memref<1616xf32, #tpu.memory_space<vmem>> -> memref<1600xf32, #tpu.memory_space<vmem>>
            %dma_wait3A_71 = tpu.memref_slice %arg3[%mul3A_57] : memref<320000xf32, #tpu.memory_space<hbm>> -> memref<1600xf32, #tpu.memory_space<hbm>>
            %dma_wait3A_72 = arith.constant 0 : i32
            %dma_wait3A_73 = tpu.memref_slice %arg11[%dma_wait3A_72] : memref<1616xf32, #tpu.memory_space<vmem>> -> memref<1600xf32, #tpu.memory_space<vmem>>
            %dma_wait3A_74 = tpu.memref_slice %arg3[%mul3A_57] : memref<320000xf32, #tpu.memory_space<hbm>> -> memref<1600xf32, #tpu.memory_space<hbm>>
            tpu.wait_dma2 semaphore(%run_scoped3A : memref<!tpu.dma_semaphore, #tpu.memory_space<semaphore_mem>>) src(%dma_wait3A_74 : memref<1600xf32, #tpu.memory_space<hbm>>) dst(%dma_wait3A_73 : memref<1600xf32, #tpu.memory_space<vmem>>)
            tpu.yield
          }) : () -> ()
          %scan3A_58 = arith.constant 0 : i32
          %scan3A_59 = arith.constant 0 : i32
          %scan3A_60 = arith.constant 800 : i32
          %scan3A_61 = arith.addi %scan3A_59, %scan3A_60 : i32
          %scan3A_62 = arith.constant 1 : i32
          %scan3A_63 = scf.for %scan3A_65 = %scan3A_59 to %scan3A_61 step %scan3A_62 iter_args(%scan3A_66 = %scan3A_58) -> (i32)  : i32 {
            %get3A = arith.index_cast %scan3A_65 : i32 to index
            %get3A_67 = tpu.vector_load %arg10[%get3A] {strides = array<i32>} : memref<816xi32, #tpu.memory_space<vmem>>, vector<16xi32>,
            %get3A_68 = vector.shape_cast %get3A_67 : vector<16xi32> to vector<16xi32>
            %slice3A = vector.extract_strided_slice %get3A_68 {offsets = [0], sizes = [1], strides = [1]} : vector<16xi32> to vector<1xi32>
            %squeeze3A = vector.extract %slice3A[0] : i32 from vector<1xi32>
            %mul3A_69 = arith.constant 2 : i32
            %mul3A_70 = arith.muli %mul3A_69, %scan3A_65 : i32
            %get3A_71 = arith.index_cast %mul3A_70 : i32 to index
            %get3A_72 = tpu.vector_load %arg11[%get3A_71] {strides = array<i32>} : memref<1616xf32, #tpu.memory_space<vmem>>, vector<16xf32>,
            %get3A_73 = vector.shape_cast %get3A_72 : vector<16xf32> to vector<16xf32>
            %select_n3A_74 = arith.select %lt3A_2, %get3A_73, %broadcast_in_dim3A_3 : vector<16xi1>, vector<16xf32>
            %mul3A_75 = arith.constant 2 : i32
            %mul3A_76 = arith.muli %mul3A_75, %squeeze3A : i32
            %get3A_77 = arith.index_cast %mul3A_76 : i32 to index
            %get3A_78 = tpu.vector_load %arg6[%get3A_77] {strides = array<i32>} : memref<20496xf32, #tpu.memory_space<vmem>>, vector<16xf32>,
            %get3A_79 = vector.shape_cast %get3A_78 : vector<16xf32> to vector<16xf32>
            %max3A = arith.maximumf %get3A_79, %select_n3A_74 : vector<16xf32>
            %swap3A = arith.index_cast %mul3A_76 : i32 to index
            %swap3A_80 = tpu.vector_load %arg6[%swap3A] {strides = array<i32>} : memref<20496xf32, #tpu.memory_space<vmem>>, vector<16xf32>,
            %swap3A_81 = vector.shape_cast %swap3A_80 : vector<16xf32> to vector<16xf32>
            %swap3A_82 = vector.shape_cast %max3A : vector<16xf32> to vector<16xf32>
            tpu.vector_store %arg6[%swap3A], %swap3A_82 {strides = array<i32>} : memref<20496xf32, #tpu.memory_space<vmem>>, vector<16xf32>,
            %scan3A_83 = arith.constant 0 : i32
            scf.yield %scan3A_83 : i32
          }
          %scan3A_64 = arith.constant 800 : i32
        } else {
        }
        %scan3A_53 = arith.constant 0 : i32
        scf.yield %scan3A_53 : i32
      }
      %scan3A_40 = arith.constant 13 : i32
      %mul3A = arith.constant 4 : i32
      %mul3A_41 = arith.muli %arg1, %mul3A : i32
      %mul3A_42 = arith.constant 10240 : i32
      %mul3A_43 = arith.muli %mul3A_41, %mul3A_42 : i32
      "tpu.region"() ({
        %run_scoped3A = tpu.sem_alloc : memref<!tpu.dma_semaphore, #tpu.memory_space<semaphore_mem>>
        %dma_start3A = arith.constant 0 : i32
        %dma_start3A_44 = tpu.memref_slice %arg6[%dma_start3A] : memref<20496xf32, #tpu.memory_space<vmem>> -> memref<20480xf32, #tpu.memory_space<vmem>>
        %dma_start3A_45 = tpu.memref_slice %arg14[%mul3A_43] : memref<655360xf32, #tpu.memory_space<vmem_shared>> -> memref<20480xf32, #tpu.memory_space<vmem_shared>>
        %dma_start3A_46 = tpu.memref_slice %arg14[%mul3A_43] : memref<655360xf32, #tpu.memory_space<vmem_shared>> -> memref<20480xf32, #tpu.memory_space<vmem_shared>>
        %dma_start3A_47 = arith.constant 0 : i32
        %dma_start3A_48 = tpu.memref_slice %arg6[%dma_start3A_47] : memref<20496xf32, #tpu.memory_space<vmem>> -> memref<20480xf32, #tpu.memory_space<vmem>>
        tpu.enqueue_dma source(%dma_start3A_48 : memref<20480xf32, #tpu.memory_space<vmem>>) target(%dma_start3A_46 : memref<20480xf32, #tpu.memory_space<vmem_shared>>) target_semaphore(%run_scoped3A : memref<!tpu.dma_semaphore, #tpu.memory_space<semaphore_mem>>)
        %dma_wait3A = arith.constant 0 : i32
        %dma_wait3A_49 = tpu.memref_slice %arg6[%dma_wait3A] : memref<20496xf32, #tpu.memory_space<vmem>> -> memref<20480xf32, #tpu.memory_space<vmem>>
        %dma_wait3A_50 = tpu.memref_slice %arg14[%mul3A_43] : memref<655360xf32, #tpu.memory_space<vmem_shared>> -> memref<20480xf32, #tpu.memory_space<vmem_shared>>
        %dma_wait3A_51 = tpu.memref_slice %arg14[%mul3A_43] : memref<655360xf32, #tpu.memory_space<vmem_shared>> -> memref<20480xf32, #tpu.memory_space<vmem_shared>>
        %dma_wait3A_52 = arith.constant 0 : i32
        %dma_wait3A_53 = tpu.memref_slice %arg6[%dma_wait3A_52] : memref<20496xf32, #tpu.memory_space<vmem>> -> memref<20480xf32, #tpu.memory_space<vmem>>
        tpu.wait_dma2 semaphore(%run_scoped3A : memref<!tpu.dma_semaphore, #tpu.memory_space<semaphore_mem>>) src(%dma_wait3A_53 : memref<20480xf32, #tpu.memory_space<vmem>>) dst(%dma_wait3A_51 : memref<20480xf32, #tpu.memory_space<vmem_shared>>)
        tpu.yield
      }) : () -> ()
    } else {
    }
    %barrier3A = arith.constant 0 : index
    tpu.barrier barrier_id(%barrier3A)
    %convert_element_type3A_13 = arith.extui %eq3A_0 : i1 to i32
    %cond3A_14 = arith.constant 0 : i32
    %cond3A_15 = arith.cmpi ne, %convert_element_type3A_13, %cond3A_14 : i32
    scf.if %cond3A_15 {
      %scan3A = arith.constant 0 : i32
      %scan3A_28 = arith.constant 0 : i32
      %scan3A_29 = arith.constant 80 : i32
      %scan3A_30 = arith.addi %scan3A_28, %scan3A_29 : i32
      %scan3A_31 = arith.constant 1 : i32
      %scan3A_32 = scf.for %scan3A_42 = %scan3A_28 to %scan3A_30 step %scan3A_31 iter_args(%scan3A_43 = %scan3A) -> (i32)  : i32 {
        %mul3A_44 = arith.constant 16 : i32
        %mul3A_45 = arith.muli %scan3A_42, %mul3A_44 : i32
        %swap3A = arith.index_cast %mul3A_45 : i32 to index
        %swap3A_46 = tpu.vector_load %arg9[%swap3A] {strides = array<i32>} : memref<2560xf32, #tpu.memory_space<vmem>>, vector<16xf32>,
        %swap3A_47 = vector.shape_cast %swap3A_46 : vector<16xf32> to vector<16xf32>
        %swap3A_48 = vector.shape_cast %broadcast_in_dim3A_3 : vector<16xf32> to vector<16xf32>
        tpu.vector_store %arg9[%swap3A], %swap3A_48 {strides = array<i32>} : memref<2560xf32, #tpu.memory_space<vmem>>, vector<16xf32>,
        %scan3A_49 = arith.constant 0 : i32
        scf.yield %scan3A_49 : i32
      }
      %scan3A_33 = arith.constant 80 : i32
      %scan3A_34 = arith.constant 0 : i32
      %scan3A_35 = arith.constant 0 : i32
      %scan3A_36 = arith.constant 16 : i32
      %scan3A_37 = arith.addi %scan3A_35, %scan3A_36 : i32
      %scan3A_38 = arith.constant 1 : i32
      %scan3A_39 = scf.for %scan3A_42 = %scan3A_35 to %scan3A_37 step %scan3A_38 iter_args(%scan3A_43 = %scan3A_34) -> (i32)  : i32 {
        %mul3A_44 = arith.constant 4 : i32
        %mul3A_45 = arith.muli %scan3A_42, %mul3A_44 : i32
        %mul3A_46 = arith.constant 10240 : i32
        %mul3A_47 = arith.muli %mul3A_45, %mul3A_46 : i32
        %mul3A_48 = arith.constant 1280 : i32
        %mul3A_49 = arith.muli %arg1, %mul3A_48 : i32
        %add3A = arith.addi %mul3A_47, %mul3A_49 : i32
        "tpu.region"() ({
          %run_scoped3A = tpu.sem_alloc : memref<!tpu.dma_semaphore, #tpu.memory_space<semaphore_mem>>
          %dma_start3A = arith.constant 0 : i32
          %dma_start3A_58 = tpu.memref_slice %arg8[%dma_start3A] : memref<2560xf32, #tpu.memory_space<vmem>> -> memref<1280xf32, #tpu.memory_space<vmem>>
          %dma_start3A_59 = tpu.memref_slice %arg14[%add3A] : memref<655360xf32, #tpu.memory_space<vmem_shared>> -> memref<1280xf32, #tpu.memory_space<vmem_shared>>
          %dma_start3A_60 = arith.constant 0 : i32
          %dma_start3A_61 = tpu.memref_slice %arg8[%dma_start3A_60] : memref<2560xf32, #tpu.memory_space<vmem>> -> memref<1280xf32, #tpu.memory_space<vmem>>
          %dma_start3A_62 = tpu.memref_slice %arg14[%add3A] : memref<655360xf32, #tpu.memory_space<vmem_shared>> -> memref<1280xf32, #tpu.memory_space<vmem_shared>>
          tpu.enqueue_dma source(%dma_start3A_62 : memref<1280xf32, #tpu.memory_space<vmem_shared>>) target(%dma_start3A_61 : memref<1280xf32, #tpu.memory_space<vmem>>) target_semaphore(%run_scoped3A : memref<!tpu.dma_semaphore, #tpu.memory_space<semaphore_mem>>)
          %dma_wait3A = arith.constant 0 : i32
          %dma_wait3A_63 = tpu.memref_slice %arg8[%dma_wait3A] : memref<2560xf32, #tpu.memory_space<vmem>> -> memref<1280xf32, #tpu.memory_space<vmem>>
          %dma_wait3A_64 = tpu.memref_slice %arg14[%add3A] : memref<655360xf32, #tpu.memory_space<vmem_shared>> -> memref<1280xf32, #tpu.memory_space<vmem_shared>>
          %dma_wait3A_65 = arith.constant 0 : i32
          %dma_wait3A_66 = tpu.memref_slice %arg8[%dma_wait3A_65] : memref<2560xf32, #tpu.memory_space<vmem>> -> memref<1280xf32, #tpu.memory_space<vmem>>
          %dma_wait3A_67 = tpu.memref_slice %arg14[%add3A] : memref<655360xf32, #tpu.memory_space<vmem_shared>> -> memref<1280xf32, #tpu.memory_space<vmem_shared>>
          tpu.wait_dma2 semaphore(%run_scoped3A : memref<!tpu.dma_semaphore, #tpu.memory_space<semaphore_mem>>) src(%dma_wait3A_67 : memref<1280xf32, #tpu.memory_space<vmem_shared>>) dst(%dma_wait3A_66 : memref<1280xf32, #tpu.memory_space<vmem>>)
          tpu.yield
        }) : () -> ()
        %scan3A_50 = arith.constant 0 : i32
        %scan3A_51 = arith.constant 0 : i32
        %scan3A_52 = arith.constant 80 : i32
        %scan3A_53 = arith.addi %scan3A_51, %scan3A_52 : i32
        %scan3A_54 = arith.constant 1 : i32
        %scan3A_55 = scf.for %scan3A_58 = %scan3A_51 to %scan3A_53 step %scan3A_54 iter_args(%scan3A_59 = %scan3A_50) -> (i32)  : i32 {
          %mul3A_60 = arith.constant 16 : i32
          %mul3A_61 = arith.muli %scan3A_58, %mul3A_60 : i32
          %get3A = arith.index_cast %mul3A_61 : i32 to index
          %get3A_62 = tpu.vector_load %arg9[%get3A] {strides = array<i32>} : memref<2560xf32, #tpu.memory_space<vmem>>, vector<16xf32>,
          %get3A_63 = vector.shape_cast %get3A_62 : vector<16xf32> to vector<16xf32>
          %get3A_64 = arith.index_cast %mul3A_61 : i32 to index
          %get3A_65 = tpu.vector_load %arg8[%get3A_64] {strides = array<i32>} : memref<2560xf32, #tpu.memory_space<vmem>>, vector<16xf32>,
          %get3A_66 = vector.shape_cast %get3A_65 : vector<16xf32> to vector<16xf32>
          %max3A = arith.maximumf %get3A_63, %get3A_66 : vector<16xf32>
          %swap3A = arith.index_cast %mul3A_61 : i32 to index
          %swap3A_67 = tpu.vector_load %arg9[%swap3A] {strides = array<i32>} : memref<2560xf32, #tpu.memory_space<vmem>>, vector<16xf32>,
          %swap3A_68 = vector.shape_cast %swap3A_67 : vector<16xf32> to vector<16xf32>
          %swap3A_69 = vector.shape_cast %max3A : vector<16xf32> to vector<16xf32>
          tpu.vector_store %arg9[%swap3A], %swap3A_69 {strides = array<i32>} : memref<2560xf32, #tpu.memory_space<vmem>>, vector<16xf32>,
          %scan3A_70 = arith.constant 0 : i32
          scf.yield %scan3A_70 : i32
        }
        %scan3A_56 = arith.constant 80 : i32
        %scan3A_57 = arith.constant 0 : i32
        scf.yield %scan3A_57 : i32
      }
      %scan3A_40 = arith.constant 16 : i32
      %mul3A = arith.constant 1280 : i32
      %mul3A_41 = arith.muli %arg1, %mul3A : i32
      "tpu.region"() ({
        %run_scoped3A = tpu.sem_alloc : memref<!tpu.dma_semaphore, #tpu.memory_space<semaphore_mem>>
        %dma_start3A = arith.constant 0 : i32
        %dma_start3A_42 = tpu.memref_slice %arg9[%dma_start3A] : memref<2560xf32, #tpu.memory_space<vmem>> -> memref<1280xf32, #tpu.memory_space<vmem>>
        %dma_start3A_43 = tpu.memref_slice %arg15[%mul3A_41] : memref<20480xf32, #tpu.memory_space<vmem_shared>> -> memref<1280xf32, #tpu.memory_space<vmem_shared>>
        %dma_start3A_44 = tpu.memref_slice %arg15[%mul3A_41] : memref<20480xf32, #tpu.memory_space<vmem_shared>> -> memref<1280xf32, #tpu.memory_space<vmem_shared>>
        %dma_start3A_45 = arith.constant 0 : i32
        %dma_start3A_46 = tpu.memref_slice %arg9[%dma_start3A_45] : memref<2560xf32, #tpu.memory_space<vmem>> -> memref<1280xf32, #tpu.memory_space<vmem>>
        tpu.enqueue_dma source(%dma_start3A_46 : memref<1280xf32, #tpu.memory_space<vmem>>) target(%dma_start3A_44 : memref<1280xf32, #tpu.memory_space<vmem_shared>>) target_semaphore(%run_scoped3A : memref<!tpu.dma_semaphore, #tpu.memory_space<semaphore_mem>>)
        %dma_wait3A = arith.constant 0 : i32
        %dma_wait3A_47 = tpu.memref_slice %arg9[%dma_wait3A] : memref<2560xf32, #tpu.memory_space<vmem>> -> memref<1280xf32, #tpu.memory_space<vmem>>
        %dma_wait3A_48 = tpu.memref_slice %arg15[%mul3A_41] : memref<20480xf32, #tpu.memory_space<vmem_shared>> -> memref<1280xf32, #tpu.memory_space<vmem_shared>>
        %dma_wait3A_49 = tpu.memref_slice %arg15[%mul3A_41] : memref<20480xf32, #tpu.memory_space<vmem_shared>> -> memref<1280xf32, #tpu.memory_space<vmem_shared>>
        %dma_wait3A_50 = arith.constant 0 : i32
        %dma_wait3A_51 = tpu.memref_slice %arg9[%dma_wait3A_50] : memref<2560xf32, #tpu.memory_space<vmem>> -> memref<1280xf32, #tpu.memory_space<vmem>>
        tpu.wait_dma2 semaphore(%run_scoped3A : memref<!tpu.dma_semaphore, #tpu.memory_space<semaphore_mem>>) src(%dma_wait3A_51 : memref<1280xf32, #tpu.memory_space<vmem>>) dst(%dma_wait3A_49 : memref<1280xf32, #tpu.memory_space<vmem_shared>>)
        tpu.yield
      }) : () -> ()
    } else {
    }
    %barrier3A_16 = arith.constant 0 : index
    tpu.barrier barrier_id(%barrier3A_16)
    %convert_element_type3A_17 = arith.extui %eq3A_0 : i1 to i32
    %cond3A_18 = arith.constant 0 : i32
    %cond3A_19 = arith.cmpi ne, %convert_element_type3A_17, %cond3A_18 : i32
    scf.if %cond3A_19 {
      "tpu.region"() ({
        %run_scoped3A = tpu.sem_alloc : memref<!tpu.dma_semaphore, #tpu.memory_space<semaphore_mem>>
        %dma_start3A = arith.constant 0 : i32
        %dma_start3A_44 = tpu.memref_slice %arg6[%dma_start3A] : memref<20496xf32, #tpu.memory_space<vmem>> -> memref<20480xf32, #tpu.memory_space<vmem>>
        %dma_start3A_45 = arith.constant 0 : i32
        %dma_start3A_46 = tpu.memref_slice %arg6[%dma_start3A_45] : memref<20496xf32, #tpu.memory_space<vmem>> -> memref<20480xf32, #tpu.memory_space<vmem>>
        tpu.enqueue_dma source(%arg15 : memref<20480xf32, #tpu.memory_space<vmem_shared>>) target(%dma_start3A_46 : memref<20480xf32, #tpu.memory_space<vmem>>) target_semaphore(%run_scoped3A : memref<!tpu.dma_semaphore, #tpu.memory_space<semaphore_mem>>)
        %dma_wait3A = arith.constant 0 : i32
        %dma_wait3A_47 = tpu.memref_slice %arg6[%dma_wait3A] : memref<20496xf32, #tpu.memory_space<vmem>> -> memref<20480xf32, #tpu.memory_space<vmem>>
        %dma_wait3A_48 = arith.constant 0 : i32
        %dma_wait3A_49 = tpu.memref_slice %arg6[%dma_wait3A_48] : memref<20496xf32, #tpu.memory_space<vmem>> -> memref<20480xf32, #tpu.memory_space<vmem>>
        tpu.wait_dma2 semaphore(%run_scoped3A : memref<!tpu.dma_semaphore, #tpu.memory_space<semaphore_mem>>) src(%arg15 : memref<20480xf32, #tpu.memory_space<vmem_shared>>) dst(%dma_wait3A_49 : memref<20480xf32, #tpu.memory_space<vmem>>)
        tpu.yield
      }) : () -> ()
      %scan3A = arith.constant 0 : i32
      %scan3A_28 = arith.constant 0 : i32
      %scan3A_29 = arith.constant 2561 : i32
      %scan3A_30 = arith.addi %scan3A_28, %scan3A_29 : i32
      %scan3A_31 = arith.constant 1 : i32
      %scan3A_32 = scf.for %scan3A_44 = %scan3A_28 to %scan3A_30 step %scan3A_31 iter_args(%scan3A_45 = %scan3A) -> (i32)  : i32 {
        %mul3A_46 = arith.constant 16 : i32
        %mul3A_47 = arith.muli %scan3A_44, %mul3A_46 : i32
        %swap3A = arith.index_cast %mul3A_47 : i32 to index
        %swap3A_48 = tpu.vector_load %arg7[%swap3A] {strides = array<i32>} : memref<40976xf32, #tpu.memory_space<vmem>>, vector<16xf32>,
        %swap3A_49 = vector.shape_cast %swap3A_48 : vector<16xf32> to vector<16xf32>
        %swap3A_50 = vector.shape_cast %broadcast_in_dim3A_5 : vector<16xf32> to vector<16xf32>
        tpu.vector_store %arg7[%swap3A], %swap3A_50 {strides = array<i32>} : memref<40976xf32, #tpu.memory_space<vmem>>, vector<16xf32>,
        %scan3A_51 = arith.constant 0 : i32
        scf.yield %scan3A_51 : i32
      }
      %scan3A_33 = arith.constant 2561 : i32
      %scan3A_34 = arith.constant 0 : i32
      %scan3A_35 = arith.constant 0 : i32
      %scan3A_36 = arith.constant 13 : i32
      %scan3A_37 = arith.addi %scan3A_35, %scan3A_36 : i32
      %scan3A_38 = arith.constant 1 : i32
      %scan3A_39 = scf.for %scan3A_44 = %scan3A_35 to %scan3A_37 step %scan3A_38 iter_args(%scan3A_45 = %scan3A_34) -> (i32)  : i32 {
        %mul3A_46 = arith.constant 16 : i32
        %mul3A_47 = arith.muli %mul3A_46, %scan3A_44 : i32
        %add3A = arith.addi %arg1, %mul3A_47 : i32
        %lt3A_48 = arith.constant 200 : i32
        %lt3A_49 = arith.cmpi slt, %add3A, %lt3A_48 : i32
        %convert_element_type3A_50 = arith.extui %lt3A_49 : i1 to i32
        %cond3A_51 = arith.constant 0 : i32
        %cond3A_52 = arith.cmpi ne, %convert_element_type3A_50, %cond3A_51 : i32
        scf.if %cond3A_52 {
          %mul3A_54 = arith.constant 800 : i32
          %mul3A_55 = arith.muli %add3A, %mul3A_54 : i32
          "tpu.region"() ({
            %run_scoped3A = tpu.sem_alloc : memref<!tpu.dma_semaphore, #tpu.memory_space<semaphore_mem>>
            %dma_start3A = arith.constant 0 : i32
            %dma_start3A_67 = tpu.memref_slice %arg10[%dma_start3A] : memref<816xi32, #tpu.memory_space<vmem>> -> memref<800xi32, #tpu.memory_space<vmem>>
            %dma_start3A_68 = tpu.memref_slice %arg2[%mul3A_55] : memref<160000xi32, #tpu.memory_space<hbm>> -> memref<800xi32, #tpu.memory_space<hbm>>
            %dma_start3A_69 = arith.constant 0 : i32
            %dma_start3A_70 = tpu.memref_slice %arg10[%dma_start3A_69] : memref<816xi32, #tpu.memory_space<vmem>> -> memref<800xi32, #tpu.memory_space<vmem>>
            %dma_start3A_71 = tpu.memref_slice %arg2[%mul3A_55] : memref<160000xi32, #tpu.memory_space<hbm>> -> memref<800xi32, #tpu.memory_space<hbm>>
            tpu.enqueue_dma source(%dma_start3A_71 : memref<800xi32, #tpu.memory_space<hbm>>) target(%dma_start3A_70 : memref<800xi32, #tpu.memory_space<vmem>>) target_semaphore(%run_scoped3A : memref<!tpu.dma_semaphore, #tpu.memory_space<semaphore_mem>>)
            %dma_wait3A = arith.constant 0 : i32
            %dma_wait3A_72 = tpu.memref_slice %arg10[%dma_wait3A] : memref<816xi32, #tpu.memory_space<vmem>> -> memref<800xi32, #tpu.memory_space<vmem>>
            %dma_wait3A_73 = tpu.memref_slice %arg2[%mul3A_55] : memref<160000xi32, #tpu.memory_space<hbm>> -> memref<800xi32, #tpu.memory_space<hbm>>
            %dma_wait3A_74 = arith.constant 0 : i32
            %dma_wait3A_75 = tpu.memref_slice %arg10[%dma_wait3A_74] : memref<816xi32, #tpu.memory_space<vmem>> -> memref<800xi32, #tpu.memory_space<vmem>>
            %dma_wait3A_76 = tpu.memref_slice %arg2[%mul3A_55] : memref<160000xi32, #tpu.memory_space<hbm>> -> memref<800xi32, #tpu.memory_space<hbm>>
            tpu.wait_dma2 semaphore(%run_scoped3A : memref<!tpu.dma_semaphore, #tpu.memory_space<semaphore_mem>>) src(%dma_wait3A_76 : memref<800xi32, #tpu.memory_space<hbm>>) dst(%dma_wait3A_75 : memref<800xi32, #tpu.memory_space<vmem>>)
            tpu.yield
          }) : () -> ()
          %mul3A_56 = arith.constant 2 : i32
          %mul3A_57 = arith.muli %mul3A_56, %mul3A_55 : i32
          "tpu.region"() ({
            %run_scoped3A = tpu.sem_alloc : memref<!tpu.dma_semaphore, #tpu.memory_space<semaphore_mem>>
            %dma_start3A = arith.constant 0 : i32
            %dma_start3A_67 = tpu.memref_slice %arg11[%dma_start3A] : memref<1616xf32, #tpu.memory_space<vmem>> -> memref<1600xf32, #tpu.memory_space<vmem>>
            %dma_start3A_68 = tpu.memref_slice %arg3[%mul3A_57] : memref<320000xf32, #tpu.memory_space<hbm>> -> memref<1600xf32, #tpu.memory_space<hbm>>
            %dma_start3A_69 = arith.constant 0 : i32
            %dma_start3A_70 = tpu.memref_slice %arg11[%dma_start3A_69] : memref<1616xf32, #tpu.memory_space<vmem>> -> memref<1600xf32, #tpu.memory_space<vmem>>
            %dma_start3A_71 = tpu.memref_slice %arg3[%mul3A_57] : memref<320000xf32, #tpu.memory_space<hbm>> -> memref<1600xf32, #tpu.memory_space<hbm>>
            tpu.enqueue_dma source(%dma_start3A_71 : memref<1600xf32, #tpu.memory_space<hbm>>) target(%dma_start3A_70 : memref<1600xf32, #tpu.memory_space<vmem>>) target_semaphore(%run_scoped3A : memref<!tpu.dma_semaphore, #tpu.memory_space<semaphore_mem>>)
            %dma_wait3A = arith.constant 0 : i32
            %dma_wait3A_72 = tpu.memref_slice %arg11[%dma_wait3A] : memref<1616xf32, #tpu.memory_space<vmem>> -> memref<1600xf32, #tpu.memory_space<vmem>>
            %dma_wait3A_73 = tpu.memref_slice %arg3[%mul3A_57] : memref<320000xf32, #tpu.memory_space<hbm>> -> memref<1600xf32, #tpu.memory_space<hbm>>
            %dma_wait3A_74 = arith.constant 0 : i32
            %dma_wait3A_75 = tpu.memref_slice %arg11[%dma_wait3A_74] : memref<1616xf32, #tpu.memory_space<vmem>> -> memref<1600xf32, #tpu.memory_space<vmem>>
            %dma_wait3A_76 = tpu.memref_slice %arg3[%mul3A_57] : memref<320000xf32, #tpu.memory_space<hbm>> -> memref<1600xf32, #tpu.memory_space<hbm>>
            tpu.wait_dma2 semaphore(%run_scoped3A : memref<!tpu.dma_semaphore, #tpu.memory_space<semaphore_mem>>) src(%dma_wait3A_76 : memref<1600xf32, #tpu.memory_space<hbm>>) dst(%dma_wait3A_75 : memref<1600xf32, #tpu.memory_space<vmem>>)
            tpu.yield
          }) : () -> ()
          %scan3A_58 = arith.constant 0 : i32
          %scan3A_59 = arith.constant 0 : i32
          %scan3A_60 = arith.constant 800 : i32
          %scan3A_61 = arith.addi %scan3A_59, %scan3A_60 : i32
          %scan3A_62 = arith.constant 1 : i32
          %scan3A_63 = scf.for %scan3A_67 = %scan3A_59 to %scan3A_61 step %scan3A_62 iter_args(%scan3A_68 = %scan3A_58) -> (i32)  : i32 {
            %get3A = arith.index_cast %scan3A_67 : i32 to index
            %get3A_69 = tpu.vector_load %arg10[%get3A] {strides = array<i32>} : memref<816xi32, #tpu.memory_space<vmem>>, vector<16xi32>,
            %get3A_70 = vector.shape_cast %get3A_69 : vector<16xi32> to vector<16xi32>
            %slice3A = vector.extract_strided_slice %get3A_70 {offsets = [0], sizes = [1], strides = [1]} : vector<16xi32> to vector<1xi32>
            %squeeze3A = vector.extract %slice3A[0] : i32 from vector<1xi32>
            %mul3A_71 = arith.constant 2 : i32
            %mul3A_72 = arith.muli %mul3A_71, %scan3A_67 : i32
            %get3A_73 = arith.index_cast %mul3A_72 : i32 to index
            %get3A_74 = tpu.vector_load %arg11[%get3A_73] {strides = array<i32>} : memref<1616xf32, #tpu.memory_space<vmem>>, vector<16xf32>,
            %get3A_75 = vector.shape_cast %get3A_74 : vector<16xf32> to vector<16xf32>
            %mul3A_76 = arith.constant 2 : i32
            %mul3A_77 = arith.muli %mul3A_76, %squeeze3A : i32
            %get3A_78 = arith.index_cast %mul3A_77 : i32 to index
            %get3A_79 = tpu.vector_load %arg6[%get3A_78] {strides = array<i32>} : memref<20496xf32, #tpu.memory_space<vmem>>, vector<16xf32>,
            %get3A_80 = vector.shape_cast %get3A_79 : vector<16xf32> to vector<16xf32>
            %sub3A = arith.subf %get3A_75, %get3A_80 : vector<16xf32>
            %select_n3A_81 = arith.select %lt3A_2, %sub3A, %broadcast_in_dim3A_5 : vector<16xi1>, vector<16xf32>
            %exp3A = math.exp %select_n3A_81 : vector<16xf32>
            %mul3A_82 = arith.constant 2 : i32
            %mul3A_83 = arith.muli %mul3A_82, %scan3A_67 : i32
            %get3A_84 = arith.index_cast %mul3A_83 : i32 to index
            %get3A_85 = tpu.vector_load %arg12[%get3A_84] {strides = array<i32>} : memref<1616xf32, #tpu.memory_space<vmem>>, vector<16xf32>,
            %get3A_86 = vector.shape_cast %get3A_85 : vector<16xf32> to vector<16xf32>
            %select_n3A_87 = arith.select %lt3A_2, %exp3A, %get3A_86 : vector<16xi1>, vector<16xf32>
            %swap3A = arith.index_cast %mul3A_83 : i32 to index
            %swap3A_88 = tpu.vector_load %arg12[%swap3A] {strides = array<i32>} : memref<1616xf32, #tpu.memory_space<vmem>>, vector<16xf32>,
            %swap3A_89 = vector.shape_cast %swap3A_88 : vector<16xf32> to vector<16xf32>
            %swap3A_90 = vector.shape_cast %select_n3A_87 : vector<16xf32> to vector<16xf32>
            tpu.vector_store %arg12[%swap3A], %swap3A_90 {strides = array<i32>} : memref<1616xf32, #tpu.memory_space<vmem>>, vector<16xf32>,
            %select_n3A_91 = arith.select %lt3A_2, %exp3A, %broadcast_in_dim3A_5 : vector<16xi1>, vector<16xf32>
            %add3A_92 = arith.addf %select_n3A_91, %select_n3A : vector<16xf32>
            %mul3A_93 = arith.constant 4 : i32
            %mul3A_94 = arith.muli %mul3A_93, %squeeze3A : i32
            %get3A_95 = arith.index_cast %mul3A_94 : i32 to index
            %get3A_96 = tpu.vector_load %arg7[%get3A_95] {strides = array<i32>} : memref<40976xf32, #tpu.memory_space<vmem>>, vector<16xf32>,
            %get3A_97 = vector.shape_cast %get3A_96 : vector<16xf32> to vector<16xf32>
            %add3A_98 = arith.addf %get3A_97, %add3A_92 : vector<16xf32>
            %swap3A_99 = arith.index_cast %mul3A_94 : i32 to index
            %swap3A_100 = tpu.vector_load %arg7[%swap3A_99] {strides = array<i32>} : memref<40976xf32, #tpu.memory_space<vmem>>, vector<16xf32>,
            %swap3A_101 = vector.shape_cast %swap3A_100 : vector<16xf32> to vector<16xf32>
            %swap3A_102 = vector.shape_cast %add3A_98 : vector<16xf32> to vector<16xf32>
            tpu.vector_store %arg7[%swap3A_99], %swap3A_102 {strides = array<i32>} : memref<40976xf32, #tpu.memory_space<vmem>>, vector<16xf32>,
            %scan3A_103 = arith.constant 0 : i32
            scf.yield %scan3A_103 : i32
          }
          %scan3A_64 = arith.constant 800 : i32
          %mul3A_65 = arith.constant 2 : i32
          %mul3A_66 = arith.muli %mul3A_65, %mul3A_55 : i32
          "tpu.region"() ({
            %run_scoped3A = tpu.sem_alloc : memref<!tpu.dma_semaphore, #tpu.memory_space<semaphore_mem>>
            %dma_start3A = arith.constant 0 : i32
            %dma_start3A_67 = tpu.memref_slice %arg12[%dma_start3A] : memref<1616xf32, #tpu.memory_space<vmem>> -> memref<1600xf32, #tpu.memory_space<vmem>>
            %dma_start3A_68 = tpu.memref_slice %arg5[%mul3A_66] : memref<320000xf32, #tpu.memory_space<hbm>> -> memref<1600xf32, #tpu.memory_space<hbm>>
            %dma_start3A_69 = tpu.memref_slice %arg5[%mul3A_66] : memref<320000xf32, #tpu.memory_space<hbm>> -> memref<1600xf32, #tpu.memory_space<hbm>>
            %dma_start3A_70 = arith.constant 0 : i32
            %dma_start3A_71 = tpu.memref_slice %arg12[%dma_start3A_70] : memref<1616xf32, #tpu.memory_space<vmem>> -> memref<1600xf32, #tpu.memory_space<vmem>>
            tpu.enqueue_dma source(%dma_start3A_71 : memref<1600xf32, #tpu.memory_space<vmem>>) target(%dma_start3A_69 : memref<1600xf32, #tpu.memory_space<hbm>>) target_semaphore(%run_scoped3A : memref<!tpu.dma_semaphore, #tpu.memory_space<semaphore_mem>>)
            %dma_wait3A = arith.constant 0 : i32
            %dma_wait3A_72 = tpu.memref_slice %arg12[%dma_wait3A] : memref<1616xf32, #tpu.memory_space<vmem>> -> memref<1600xf32, #tpu.memory_space<vmem>>
            %dma_wait3A_73 = tpu.memref_slice %arg5[%mul3A_66] : memref<320000xf32, #tpu.memory_space<hbm>> -> memref<1600xf32, #tpu.memory_space<hbm>>
            %dma_wait3A_74 = tpu.memref_slice %arg5[%mul3A_66] : memref<320000xf32, #tpu.memory_space<hbm>> -> memref<1600xf32, #tpu.memory_space<hbm>>
            %dma_wait3A_75 = arith.constant 0 : i32
            %dma_wait3A_76 = tpu.memref_slice %arg12[%dma_wait3A_75] : memref<1616xf32, #tpu.memory_space<vmem>> -> memref<1600xf32, #tpu.memory_space<vmem>>
            tpu.wait_dma2 semaphore(%run_scoped3A : memref<!tpu.dma_semaphore, #tpu.memory_space<semaphore_mem>>) src(%dma_wait3A_76 : memref<1600xf32, #tpu.memory_space<vmem>>) dst(%dma_wait3A_74 : memref<1600xf32, #tpu.memory_space<hbm>>)
            tpu.yield
          }) : () -> ()
        } else {
        }
        %scan3A_53 = arith.constant 0 : i32
        scf.yield %scan3A_53 : i32
      }
      %scan3A_40 = arith.constant 13 : i32
      %mul3A = arith.constant 4 : i32
      %mul3A_41 = arith.muli %arg1, %mul3A : i32
      %mul3A_42 = arith.constant 10240 : i32
      %mul3A_43 = arith.muli %mul3A_41, %mul3A_42 : i32
      "tpu.region"() ({
        %run_scoped3A = tpu.sem_alloc : memref<!tpu.dma_semaphore, #tpu.memory_space<semaphore_mem>>
        %dma_start3A = arith.constant 0 : i32
        %dma_start3A_44 = tpu.memref_slice %arg7[%dma_start3A] : memref<40976xf32, #tpu.memory_space<vmem>> -> memref<40960xf32, #tpu.memory_space<vmem>>
        %dma_start3A_45 = tpu.memref_slice %arg14[%mul3A_43] : memref<655360xf32, #tpu.memory_space<vmem_shared>> -> memref<40960xf32, #tpu.memory_space<vmem_shared>>
        %dma_start3A_46 = tpu.memref_slice %arg14[%mul3A_43] : memref<655360xf32, #tpu.memory_space<vmem_shared>> -> memref<40960xf32, #tpu.memory_space<vmem_shared>>
        %dma_start3A_47 = arith.constant 0 : i32
        %dma_start3A_48 = tpu.memref_slice %arg7[%dma_start3A_47] : memref<40976xf32, #tpu.memory_space<vmem>> -> memref<40960xf32, #tpu.memory_space<vmem>>
        tpu.enqueue_dma source(%dma_start3A_48 : memref<40960xf32, #tpu.memory_space<vmem>>) target(%dma_start3A_46 : memref<40960xf32, #tpu.memory_space<vmem_shared>>) target_semaphore(%run_scoped3A : memref<!tpu.dma_semaphore, #tpu.memory_space<semaphore_mem>>)
        %dma_wait3A = arith.constant 0 : i32
        %dma_wait3A_49 = tpu.memref_slice %arg7[%dma_wait3A] : memref<40976xf32, #tpu.memory_space<vmem>> -> memref<40960xf32, #tpu.memory_space<vmem>>
        %dma_wait3A_50 = tpu.memref_slice %arg14[%mul3A_43] : memref<655360xf32, #tpu.memory_space<vmem_shared>> -> memref<40960xf32, #tpu.memory_space<vmem_shared>>
        %dma_wait3A_51 = tpu.memref_slice %arg14[%mul3A_43] : memref<655360xf32, #tpu.memory_space<vmem_shared>> -> memref<40960xf32, #tpu.memory_space<vmem_shared>>
        %dma_wait3A_52 = arith.constant 0 : i32
        %dma_wait3A_53 = tpu.memref_slice %arg7[%dma_wait3A_52] : memref<40976xf32, #tpu.memory_space<vmem>> -> memref<40960xf32, #tpu.memory_space<vmem>>
        tpu.wait_dma2 semaphore(%run_scoped3A : memref<!tpu.dma_semaphore, #tpu.memory_space<semaphore_mem>>) src(%dma_wait3A_53 : memref<40960xf32, #tpu.memory_space<vmem>>) dst(%dma_wait3A_51 : memref<40960xf32, #tpu.memory_space<vmem_shared>>)
        tpu.yield
      }) : () -> ()
    } else {
    }
    %barrier3A_20 = arith.constant 0 : index
    tpu.barrier barrier_id(%barrier3A_20)
    %convert_element_type3A_21 = arith.extui %eq3A_0 : i1 to i32
    %cond3A_22 = arith.constant 0 : i32
    %cond3A_23 = arith.cmpi ne, %convert_element_type3A_21, %cond3A_22 : i32
    scf.if %cond3A_23 {
      %scan3A = arith.constant 0 : i32
      %scan3A_28 = arith.constant 0 : i32
      %scan3A_29 = arith.constant 160 : i32
      %scan3A_30 = arith.addi %scan3A_28, %scan3A_29 : i32
      %scan3A_31 = arith.constant 1 : i32
      %scan3A_32 = scf.for %scan3A_42 = %scan3A_28 to %scan3A_30 step %scan3A_31 iter_args(%scan3A_43 = %scan3A) -> (i32)  : i32 {
        %mul3A_44 = arith.constant 16 : i32
        %mul3A_45 = arith.muli %scan3A_42, %mul3A_44 : i32
        %swap3A = arith.index_cast %mul3A_45 : i32 to index
        %swap3A_46 = tpu.vector_load %arg9[%swap3A] {strides = array<i32>} : memref<2560xf32, #tpu.memory_space<vmem>>, vector<16xf32>,
        %swap3A_47 = vector.shape_cast %swap3A_46 : vector<16xf32> to vector<16xf32>
        %swap3A_48 = vector.shape_cast %broadcast_in_dim3A_5 : vector<16xf32> to vector<16xf32>
        tpu.vector_store %arg9[%swap3A], %swap3A_48 {strides = array<i32>} : memref<2560xf32, #tpu.memory_space<vmem>>, vector<16xf32>,
        %scan3A_49 = arith.constant 0 : i32
        scf.yield %scan3A_49 : i32
      }
      %scan3A_33 = arith.constant 160 : i32
      %scan3A_34 = arith.constant 0 : i32
      %scan3A_35 = arith.constant 0 : i32
      %scan3A_36 = arith.constant 16 : i32
      %scan3A_37 = arith.addi %scan3A_35, %scan3A_36 : i32
      %scan3A_38 = arith.constant 1 : i32
      %scan3A_39 = scf.for %scan3A_42 = %scan3A_35 to %scan3A_37 step %scan3A_38 iter_args(%scan3A_43 = %scan3A_34) -> (i32)  : i32 {
        %mul3A_44 = arith.constant 4 : i32
        %mul3A_45 = arith.muli %scan3A_42, %mul3A_44 : i32
        %mul3A_46 = arith.constant 10240 : i32
        %mul3A_47 = arith.muli %mul3A_45, %mul3A_46 : i32
        %mul3A_48 = arith.constant 2560 : i32
        %mul3A_49 = arith.muli %arg1, %mul3A_48 : i32
        %add3A = arith.addi %mul3A_47, %mul3A_49 : i32
        "tpu.region"() ({
          %run_scoped3A = tpu.sem_alloc : memref<!tpu.dma_semaphore, #tpu.memory_space<semaphore_mem>>
          %dma_start3A = arith.constant 0 : i32
          %dma_start3A_58 = tpu.memref_slice %arg8[%dma_start3A] : memref<2560xf32, #tpu.memory_space<vmem>> -> memref<2560xf32, #tpu.memory_space<vmem>>
          %dma_start3A_59 = tpu.memref_slice %arg14[%add3A] : memref<655360xf32, #tpu.memory_space<vmem_shared>> -> memref<2560xf32, #tpu.memory_space<vmem_shared>>
          %dma_start3A_60 = arith.constant 0 : i32
          %dma_start3A_61 = tpu.memref_slice %arg8[%dma_start3A_60] : memref<2560xf32, #tpu.memory_space<vmem>> -> memref<2560xf32, #tpu.memory_space<vmem>>
          %dma_start3A_62 = tpu.memref_slice %arg14[%add3A] : memref<655360xf32, #tpu.memory_space<vmem_shared>> -> memref<2560xf32, #tpu.memory_space<vmem_shared>>
          tpu.enqueue_dma source(%dma_start3A_62 : memref<2560xf32, #tpu.memory_space<vmem_shared>>) target(%dma_start3A_61 : memref<2560xf32, #tpu.memory_space<vmem>>) target_semaphore(%run_scoped3A : memref<!tpu.dma_semaphore, #tpu.memory_space<semaphore_mem>>)
          %dma_wait3A = arith.constant 0 : i32
          %dma_wait3A_63 = tpu.memref_slice %arg8[%dma_wait3A] : memref<2560xf32, #tpu.memory_space<vmem>> -> memref<2560xf32, #tpu.memory_space<vmem>>
          %dma_wait3A_64 = tpu.memref_slice %arg14[%add3A] : memref<655360xf32, #tpu.memory_space<vmem_shared>> -> memref<2560xf32, #tpu.memory_space<vmem_shared>>
          %dma_wait3A_65 = arith.constant 0 : i32
          %dma_wait3A_66 = tpu.memref_slice %arg8[%dma_wait3A_65] : memref<2560xf32, #tpu.memory_space<vmem>> -> memref<2560xf32, #tpu.memory_space<vmem>>
          %dma_wait3A_67 = tpu.memref_slice %arg14[%add3A] : memref<655360xf32, #tpu.memory_space<vmem_shared>> -> memref<2560xf32, #tpu.memory_space<vmem_shared>>
          tpu.wait_dma2 semaphore(%run_scoped3A : memref<!tpu.dma_semaphore, #tpu.memory_space<semaphore_mem>>) src(%dma_wait3A_67 : memref<2560xf32, #tpu.memory_space<vmem_shared>>) dst(%dma_wait3A_66 : memref<2560xf32, #tpu.memory_space<vmem>>)
          tpu.yield
        }) : () -> ()
        %scan3A_50 = arith.constant 0 : i32
        %scan3A_51 = arith.constant 0 : i32
        %scan3A_52 = arith.constant 160 : i32
        %scan3A_53 = arith.addi %scan3A_51, %scan3A_52 : i32
        %scan3A_54 = arith.constant 1 : i32
        %scan3A_55 = scf.for %scan3A_58 = %scan3A_51 to %scan3A_53 step %scan3A_54 iter_args(%scan3A_59 = %scan3A_50) -> (i32)  : i32 {
          %mul3A_60 = arith.constant 16 : i32
          %mul3A_61 = arith.muli %scan3A_58, %mul3A_60 : i32
          %get3A = arith.index_cast %mul3A_61 : i32 to index
          %get3A_62 = tpu.vector_load %arg9[%get3A] {strides = array<i32>} : memref<2560xf32, #tpu.memory_space<vmem>>, vector<16xf32>,
          %get3A_63 = vector.shape_cast %get3A_62 : vector<16xf32> to vector<16xf32>
          %get3A_64 = arith.index_cast %mul3A_61 : i32 to index
          %get3A_65 = tpu.vector_load %arg8[%get3A_64] {strides = array<i32>} : memref<2560xf32, #tpu.memory_space<vmem>>, vector<16xf32>,
          %get3A_66 = vector.shape_cast %get3A_65 : vector<16xf32> to vector<16xf32>
          %add3A_67 = arith.addf %get3A_63, %get3A_66 : vector<16xf32>
          %swap3A = arith.index_cast %mul3A_61 : i32 to index
          %swap3A_68 = tpu.vector_load %arg9[%swap3A] {strides = array<i32>} : memref<2560xf32, #tpu.memory_space<vmem>>, vector<16xf32>,
          %swap3A_69 = vector.shape_cast %swap3A_68 : vector<16xf32> to vector<16xf32>
          %swap3A_70 = vector.shape_cast %add3A_67 : vector<16xf32> to vector<16xf32>
          tpu.vector_store %arg9[%swap3A], %swap3A_70 {strides = array<i32>} : memref<2560xf32, #tpu.memory_space<vmem>>, vector<16xf32>,
          %scan3A_71 = arith.constant 0 : i32
          scf.yield %scan3A_71 : i32
        }
        %scan3A_56 = arith.constant 160 : i32
        %scan3A_57 = arith.constant 0 : i32
        scf.yield %scan3A_57 : i32
      }
      %scan3A_40 = arith.constant 16 : i32
      %mul3A = arith.constant 2560 : i32
      %mul3A_41 = arith.muli %arg1, %mul3A : i32
      "tpu.region"() ({
        %run_scoped3A = tpu.sem_alloc : memref<!tpu.dma_semaphore, #tpu.memory_space<semaphore_mem>>
        %dma_start3A = arith.constant 0 : i32
        %dma_start3A_42 = tpu.memref_slice %arg9[%dma_start3A] : memref<2560xf32, #tpu.memory_space<vmem>> -> memref<2560xf32, #tpu.memory_space<vmem>>
        %dma_start3A_43 = tpu.memref_slice %arg16[%mul3A_41] : memref<40960xf32, #tpu.memory_space<vmem_shared>> -> memref<2560xf32, #tpu.memory_space<vmem_shared>>
        %dma_start3A_44 = tpu.memref_slice %arg16[%mul3A_41] : memref<40960xf32, #tpu.memory_space<vmem_shared>> -> memref<2560xf32, #tpu.memory_space<vmem_shared>>
        %dma_start3A_45 = arith.constant 0 : i32
        %dma_start3A_46 = tpu.memref_slice %arg9[%dma_start3A_45] : memref<2560xf32, #tpu.memory_space<vmem>> -> memref<2560xf32, #tpu.memory_space<vmem>>
        tpu.enqueue_dma source(%dma_start3A_46 : memref<2560xf32, #tpu.memory_space<vmem>>) target(%dma_start3A_44 : memref<2560xf32, #tpu.memory_space<vmem_shared>>) target_semaphore(%run_scoped3A : memref<!tpu.dma_semaphore, #tpu.memory_space<semaphore_mem>>)
        %dma_wait3A = arith.constant 0 : i32
        %dma_wait3A_47 = tpu.memref_slice %arg9[%dma_wait3A] : memref<2560xf32, #tpu.memory_space<vmem>> -> memref<2560xf32, #tpu.memory_space<vmem>>
        %dma_wait3A_48 = tpu.memref_slice %arg16[%mul3A_41] : memref<40960xf32, #tpu.memory_space<vmem_shared>> -> memref<2560xf32, #tpu.memory_space<vmem_shared>>
        %dma_wait3A_49 = tpu.memref_slice %arg16[%mul3A_41] : memref<40960xf32, #tpu.memory_space<vmem_shared>> -> memref<2560xf32, #tpu.memory_space<vmem_shared>>
        %dma_wait3A_50 = arith.constant 0 : i32
        %dma_wait3A_51 = tpu.memref_slice %arg9[%dma_wait3A_50] : memref<2560xf32, #tpu.memory_space<vmem>> -> memref<2560xf32, #tpu.memory_space<vmem>>
        tpu.wait_dma2 semaphore(%run_scoped3A : memref<!tpu.dma_semaphore, #tpu.memory_space<semaphore_mem>>) src(%dma_wait3A_51 : memref<2560xf32, #tpu.memory_space<vmem>>) dst(%dma_wait3A_49 : memref<2560xf32, #tpu.memory_space<vmem_shared>>)
        tpu.yield
      }) : () -> ()
    } else {
    }
    %barrier3A_24 = arith.constant 0 : index
    tpu.barrier barrier_id(%barrier3A_24)
    %convert_element_type3A_25 = arith.extui %eq3A_0 : i1 to i32
    %cond3A_26 = arith.constant 0 : i32
    %cond3A_27 = arith.cmpi ne, %convert_element_type3A_25, %cond3A_26 : i32
    scf.if %cond3A_27 {
      "tpu.region"() ({
        %run_scoped3A = tpu.sem_alloc : memref<!tpu.dma_semaphore, #tpu.memory_space<semaphore_mem>>
        %dma_start3A = arith.constant 0 : i32
        %dma_start3A_35 = tpu.memref_slice %arg7[%dma_start3A] : memref<40976xf32, #tpu.memory_space<vmem>> -> memref<40960xf32, #tpu.memory_space<vmem>>
        %dma_start3A_36 = arith.constant 0 : i32
        %dma_start3A_37 = tpu.memref_slice %arg7[%dma_start3A_36] : memref<40976xf32, #tpu.memory_space<vmem>> -> memref<40960xf32, #tpu.memory_space<vmem>>
        tpu.enqueue_dma source(%arg16 : memref<40960xf32, #tpu.memory_space<vmem_shared>>) target(%dma_start3A_37 : memref<40960xf32, #tpu.memory_space<vmem>>) target_semaphore(%run_scoped3A : memref<!tpu.dma_semaphore, #tpu.memory_space<semaphore_mem>>)
        %dma_wait3A = arith.constant 0 : i32
        %dma_wait3A_38 = tpu.memref_slice %arg7[%dma_wait3A] : memref<40976xf32, #tpu.memory_space<vmem>> -> memref<40960xf32, #tpu.memory_space<vmem>>
        %dma_wait3A_39 = arith.constant 0 : i32
        %dma_wait3A_40 = tpu.memref_slice %arg7[%dma_wait3A_39] : memref<40976xf32, #tpu.memory_space<vmem>> -> memref<40960xf32, #tpu.memory_space<vmem>>
        tpu.wait_dma2 semaphore(%run_scoped3A : memref<!tpu.dma_semaphore, #tpu.memory_space<semaphore_mem>>) src(%arg16 : memref<40960xf32, #tpu.memory_space<vmem_shared>>) dst(%dma_wait3A_40 : memref<40960xf32, #tpu.memory_space<vmem>>)
        tpu.yield
      }) : () -> ()
      %scan3A = arith.constant 1.000000e-16 : f32
      %scan3A_28 = arith.constant 0 : i32
      %scan3A_29 = arith.constant 0 : i32
      %scan3A_30 = arith.constant 13 : i32
      %scan3A_31 = arith.addi %scan3A_29, %scan3A_30 : i32
      %scan3A_32 = arith.constant 1 : i32
      %scan3A_33 = scf.for %scan3A_35 = %scan3A_29 to %scan3A_31 step %scan3A_32 iter_args(%scan3A_36 = %scan3A_28) -> (i32)  : i32 {
        %mul3A = arith.constant 16 : i32
        %mul3A_37 = arith.muli %mul3A, %scan3A_35 : i32
        %add3A = arith.addi %arg1, %mul3A_37 : i32
        %lt3A_38 = arith.constant 200 : i32
        %lt3A_39 = arith.cmpi slt, %add3A, %lt3A_38 : i32
        %convert_element_type3A_40 = arith.extui %lt3A_39 : i1 to i32
        %cond3A_41 = arith.constant 0 : i32
        %cond3A_42 = arith.cmpi ne, %convert_element_type3A_40, %cond3A_41 : i32
        scf.if %cond3A_42 {
          %mul3A_44 = arith.constant 800 : i32
          %mul3A_45 = arith.muli %add3A, %mul3A_44 : i32
          "tpu.region"() ({
            %run_scoped3A = tpu.sem_alloc : memref<!tpu.dma_semaphore, #tpu.memory_space<semaphore_mem>>
            %dma_start3A = arith.constant 0 : i32
            %dma_start3A_57 = tpu.memref_slice %arg10[%dma_start3A] : memref<816xi32, #tpu.memory_space<vmem>> -> memref<800xi32, #tpu.memory_space<vmem>>
            %dma_start3A_58 = tpu.memref_slice %arg2[%mul3A_45] : memref<160000xi32, #tpu.memory_space<hbm>> -> memref<800xi32, #tpu.memory_space<hbm>>
            %dma_start3A_59 = arith.constant 0 : i32
            %dma_start3A_60 = tpu.memref_slice %arg10[%dma_start3A_59] : memref<816xi32, #tpu.memory_space<vmem>> -> memref<800xi32, #tpu.memory_space<vmem>>
            %dma_start3A_61 = tpu.memref_slice %arg2[%mul3A_45] : memref<160000xi32, #tpu.memory_space<hbm>> -> memref<800xi32, #tpu.memory_space<hbm>>
            tpu.enqueue_dma source(%dma_start3A_61 : memref<800xi32, #tpu.memory_space<hbm>>) target(%dma_start3A_60 : memref<800xi32, #tpu.memory_space<vmem>>) target_semaphore(%run_scoped3A : memref<!tpu.dma_semaphore, #tpu.memory_space<semaphore_mem>>)
            %dma_wait3A = arith.constant 0 : i32
            %dma_wait3A_62 = tpu.memref_slice %arg10[%dma_wait3A] : memref<816xi32, #tpu.memory_space<vmem>> -> memref<800xi32, #tpu.memory_space<vmem>>
            %dma_wait3A_63 = tpu.memref_slice %arg2[%mul3A_45] : memref<160000xi32, #tpu.memory_space<hbm>> -> memref<800xi32, #tpu.memory_space<hbm>>
            %dma_wait3A_64 = arith.constant 0 : i32
            %dma_wait3A_65 = tpu.memref_slice %arg10[%dma_wait3A_64] : memref<816xi32, #tpu.memory_space<vmem>> -> memref<800xi32, #tpu.memory_space<vmem>>
            %dma_wait3A_66 = tpu.memref_slice %arg2[%mul3A_45] : memref<160000xi32, #tpu.memory_space<hbm>> -> memref<800xi32, #tpu.memory_space<hbm>>
            tpu.wait_dma2 semaphore(%run_scoped3A : memref<!tpu.dma_semaphore, #tpu.memory_space<semaphore_mem>>) src(%dma_wait3A_66 : memref<800xi32, #tpu.memory_space<hbm>>) dst(%dma_wait3A_65 : memref<800xi32, #tpu.memory_space<vmem>>)
            tpu.yield
          }) : () -> ()
          %mul3A_46 = arith.constant 2 : i32
          %mul3A_47 = arith.muli %mul3A_46, %mul3A_45 : i32
          "tpu.region"() ({
            %run_scoped3A = tpu.sem_alloc : memref<!tpu.dma_semaphore, #tpu.memory_space<semaphore_mem>>
            %dma_start3A = arith.constant 0 : i32
            %dma_start3A_57 = tpu.memref_slice %arg12[%dma_start3A] : memref<1616xf32, #tpu.memory_space<vmem>> -> memref<1600xf32, #tpu.memory_space<vmem>>
            %dma_start3A_58 = tpu.memref_slice %arg5[%mul3A_47] : memref<320000xf32, #tpu.memory_space<hbm>> -> memref<1600xf32, #tpu.memory_space<hbm>>
            %dma_start3A_59 = arith.constant 0 : i32
            %dma_start3A_60 = tpu.memref_slice %arg12[%dma_start3A_59] : memref<1616xf32, #tpu.memory_space<vmem>> -> memref<1600xf32, #tpu.memory_space<vmem>>
            %dma_start3A_61 = tpu.memref_slice %arg5[%mul3A_47] : memref<320000xf32, #tpu.memory_space<hbm>> -> memref<1600xf32, #tpu.memory_space<hbm>>
            tpu.enqueue_dma source(%dma_start3A_61 : memref<1600xf32, #tpu.memory_space<hbm>>) target(%dma_start3A_60 : memref<1600xf32, #tpu.memory_space<vmem>>) target_semaphore(%run_scoped3A : memref<!tpu.dma_semaphore, #tpu.memory_space<semaphore_mem>>)
            %dma_wait3A = arith.constant 0 : i32
            %dma_wait3A_62 = tpu.memref_slice %arg12[%dma_wait3A] : memref<1616xf32, #tpu.memory_space<vmem>> -> memref<1600xf32, #tpu.memory_space<vmem>>
            %dma_wait3A_63 = tpu.memref_slice %arg5[%mul3A_47] : memref<320000xf32, #tpu.memory_space<hbm>> -> memref<1600xf32, #tpu.memory_space<hbm>>
            %dma_wait3A_64 = arith.constant 0 : i32
            %dma_wait3A_65 = tpu.memref_slice %arg12[%dma_wait3A_64] : memref<1616xf32, #tpu.memory_space<vmem>> -> memref<1600xf32, #tpu.memory_space<vmem>>
            %dma_wait3A_66 = tpu.memref_slice %arg5[%mul3A_47] : memref<320000xf32, #tpu.memory_space<hbm>> -> memref<1600xf32, #tpu.memory_space<hbm>>
            tpu.wait_dma2 semaphore(%run_scoped3A : memref<!tpu.dma_semaphore, #tpu.memory_space<semaphore_mem>>) src(%dma_wait3A_66 : memref<1600xf32, #tpu.memory_space<hbm>>) dst(%dma_wait3A_65 : memref<1600xf32, #tpu.memory_space<vmem>>)
            tpu.yield
          }) : () -> ()
          %scan3A_48 = arith.constant 0 : i32
          %scan3A_49 = arith.constant 0 : i32
          %scan3A_50 = arith.constant 800 : i32
          %scan3A_51 = arith.addi %scan3A_49, %scan3A_50 : i32
          %scan3A_52 = arith.constant 1 : i32
          %scan3A_53 = scf.for %scan3A_57 = %scan3A_49 to %scan3A_51 step %scan3A_52 iter_args(%scan3A_58 = %scan3A_48) -> (i32)  : i32 {
            %get3A = arith.index_cast %scan3A_57 : i32 to index
            %get3A_59 = tpu.vector_load %arg10[%get3A] {strides = array<i32>} : memref<816xi32, #tpu.memory_space<vmem>>, vector<16xi32>,
            %get3A_60 = vector.shape_cast %get3A_59 : vector<16xi32> to vector<16xi32>
            %slice3A = vector.extract_strided_slice %get3A_60 {offsets = [0], sizes = [1], strides = [1]} : vector<16xi32> to vector<1xi32>
            %squeeze3A = vector.extract %slice3A[0] : i32 from vector<1xi32>
            %mul3A_61 = arith.constant 4 : i32
            %mul3A_62 = arith.muli %mul3A_61, %squeeze3A : i32
            %get3A_63 = arith.index_cast %mul3A_62 : i32 to index
            %get3A_64 = tpu.vector_load %arg7[%get3A_63] {strides = array<i32>} : memref<40976xf32, #tpu.memory_space<vmem>>, vector<16xf32>,
            %get3A_65 = vector.shape_cast %get3A_64 : vector<16xf32> to vector<16xf32>
            %slice3A_66 = vector.extract_strided_slice %get3A_65 {offsets = [2], sizes = [1], strides = [1]} : vector<16xf32> to vector<1xf32>
            %squeeze3A_67 = vector.extract %slice3A_66[0] : f32 from vector<1xf32>
            %mul3A_68 = arith.constant 2 : i32
            %mul3A_69 = arith.muli %mul3A_68, %scan3A_57 : i32
            %get3A_70 = arith.index_cast %mul3A_69 : i32 to index
            %get3A_71 = tpu.vector_load %arg12[%get3A_70] {strides = array<i32>} : memref<1616xf32, #tpu.memory_space<vmem>>, vector<16xf32>,
            %get3A_72 = vector.shape_cast %get3A_71 : vector<16xf32> to vector<16xf32>
            %mul3A_73 = vector.broadcast %squeeze3A_67 : f32 to vector<16xf32>
            %mul3A_74 = arith.mulf %mul3A_73, %get3A_72 : vector<16xf32>
            %add3A_75 = vector.broadcast %scan3A : f32 to vector<16xf32>
            %add3A_76 = arith.addf %get3A_65, %add3A_75 : vector<16xf32>
            %div3A = arith.divf %mul3A_74, %add3A_76 : vector<16xf32>
            %mul3A_77 = arith.constant 2 : i32
            %mul3A_78 = arith.muli %mul3A_77, %scan3A_57 : i32
            %get3A_79 = arith.index_cast %mul3A_78 : i32 to index
            %get3A_80 = tpu.vector_load %arg13[%get3A_79] {strides = array<i32>} : memref<1616xf32, #tpu.memory_space<vmem>>, vector<16xf32>,
            %get3A_81 = vector.shape_cast %get3A_80 : vector<16xf32> to vector<16xf32>
            %select_n3A_82 = arith.select %lt3A_2, %div3A, %get3A_81 : vector<16xi1>, vector<16xf32>
            %swap3A = arith.index_cast %mul3A_78 : i32 to index
            %swap3A_83 = tpu.vector_load %arg13[%swap3A] {strides = array<i32>} : memref<1616xf32, #tpu.memory_space<vmem>>, vector<16xf32>,
            %swap3A_84 = vector.shape_cast %swap3A_83 : vector<16xf32> to vector<16xf32>
            %swap3A_85 = vector.shape_cast %select_n3A_82 : vector<16xf32> to vector<16xf32>
            tpu.vector_store %arg13[%swap3A], %swap3A_85 {strides = array<i32>} : memref<1616xf32, #tpu.memory_space<vmem>>, vector<16xf32>,
            %scan3A_86 = arith.constant 0 : i32
            scf.yield %scan3A_86 : i32
          }
          %scan3A_54 = arith.constant 800 : i32
          %mul3A_55 = arith.constant 2 : i32
          %mul3A_56 = arith.muli %mul3A_55, %mul3A_45 : i32
          "tpu.region"() ({
            %run_scoped3A = tpu.sem_alloc : memref<!tpu.dma_semaphore, #tpu.memory_space<semaphore_mem>>
            %dma_start3A = arith.constant 0 : i32
            %dma_start3A_57 = tpu.memref_slice %arg13[%dma_start3A] : memref<1616xf32, #tpu.memory_space<vmem>> -> memref<1600xf32, #tpu.memory_space<vmem>>
            %dma_start3A_58 = tpu.memref_slice %arg4[%mul3A_56] : memref<320000xf32, #tpu.memory_space<hbm>> -> memref<1600xf32, #tpu.memory_space<hbm>>
            %dma_start3A_59 = tpu.memref_slice %arg4[%mul3A_56] : memref<320000xf32, #tpu.memory_space<hbm>> -> memref<1600xf32, #tpu.memory_space<hbm>>
            %dma_start3A_60 = arith.constant 0 : i32
            %dma_start3A_61 = tpu.memref_slice %arg13[%dma_start3A_60] : memref<1616xf32, #tpu.memory_space<vmem>> -> memref<1600xf32, #tpu.memory_space<vmem>>
            tpu.enqueue_dma source(%dma_start3A_61 : memref<1600xf32, #tpu.memory_space<vmem>>) target(%dma_start3A_59 : memref<1600xf32, #tpu.memory_space<hbm>>) target_semaphore(%run_scoped3A : memref<!tpu.dma_semaphore, #tpu.memory_space<semaphore_mem>>)
            %dma_wait3A = arith.constant 0 : i32
            %dma_wait3A_62 = tpu.memref_slice %arg13[%dma_wait3A] : memref<1616xf32, #tpu.memory_space<vmem>> -> memref<1600xf32, #tpu.memory_space<vmem>>
            %dma_wait3A_63 = tpu.memref_slice %arg4[%mul3A_56] : memref<320000xf32, #tpu.memory_space<hbm>> -> memref<1600xf32, #tpu.memory_space<hbm>>
            %dma_wait3A_64 = tpu.memref_slice %arg4[%mul3A_56] : memref<320000xf32, #tpu.memory_space<hbm>> -> memref<1600xf32, #tpu.memory_space<hbm>>
            %dma_wait3A_65 = arith.constant 0 : i32
            %dma_wait3A_66 = tpu.memref_slice %arg13[%dma_wait3A_65] : memref<1616xf32, #tpu.memory_space<vmem>> -> memref<1600xf32, #tpu.memory_space<vmem>>
            tpu.wait_dma2 semaphore(%run_scoped3A : memref<!tpu.dma_semaphore, #tpu.memory_space<semaphore_mem>>) src(%dma_wait3A_66 : memref<1600xf32, #tpu.memory_space<vmem>>) dst(%dma_wait3A_64 : memref<1600xf32, #tpu.memory_space<hbm>>)
            tpu.yield
          }) : () -> ()
        } else {
        }
        %scan3A_43 = arith.constant 0 : i32
        scf.yield %scan3A_43 : i32
      }
      %scan3A_34 = arith.constant 13 : i32
    } else {
    }
    return
  }
}

module attributes {stable_mosaic.version = 14 : i64} {
  func.func @_tc_body(%arg0: i32, %arg1: memref<1600x128xf32, #tpu.memory_space<vmem>>, %arg2: memref<1600x128xf32, #tpu.memory_space<vmem>>, %arg3: memref<1600x1xf32, #tpu.memory_space<vmem>>, %arg4: memref<1600x20xf32, #tpu.memory_space<vmem>>, %arg5: memref<1600x4xf32, #tpu.memory_space<vmem>>, %arg6: memref<960x48xf32, #tpu.memory_space<vmem>>, %arg7: memref<192x48xf32, #tpu.memory_space<vmem>>, %arg8: memref<1600x2xf32, #tpu.memory_space<vmem>>) attributes {dimension_semantics = [#tpu.dimension_semantics<arbitrary>], iteration_bounds = array<i64: 100>, scalar_prefetch = 0 : i64, scratch_operands = 0 : i64, tpu.core_type = #tpu.core_type<tc>, window_params = [{transform_indices = @transform_0, window_bounds = array<i64: 1600, 128>}, {transform_indices = @transform_1, window_bounds = array<i64: 1600, 128>}, {transform_indices = @transform_2, window_bounds = array<i64: 1600, 1>}, {transform_indices = @transform_3, window_bounds = array<i64: 1600, 20>}, {transform_indices = @transform_4, window_bounds = array<i64: 1600, 4>}, {pipeline_mode = #tpu.pipeline_mode<synchronous>, transform_indices = @transform_5, window_bounds = array<i64: 960, 48>}, {pipeline_mode = #tpu.pipeline_mode<synchronous>, transform_indices = @transform_6, window_bounds = array<i64: 192, 48>}, {transform_indices = @transform_7, window_bounds = array<i64: 1600, 2>}]} {
    %get3A = arith.constant 0 : index
    %get3A_0 = arith.constant 0 : index
    %get3A_1 = vector.load %arg2[%get3A, %get3A_0] : memref<1600x128xf32, #tpu.memory_space<vmem>>, vector<1600x48xf32>
    %get3A_2 = arith.constant 0 : index
    %get3A_3 = arith.constant 0 : index
    %get3A_4 = vector.load %arg3[%get3A_2, %get3A_3] : memref<1600x1xf32, #tpu.memory_space<vmem>>, vector<1600x1xf32>
    %cos3A = math.cos %get3A_4 : vector<1600x1xf32>
    %sin3A = math.sin %get3A_4 : vector<1600x1xf32>
    %slice3A = vector.extract_strided_slice %get3A_1 {offsets = [0, 16], sizes = [1600, 16], strides = [1, 1]} : vector<1600x48xf32> to vector<1600x16xf32>
    %slice3A_5 = vector.extract_strided_slice %get3A_1 {offsets = [0, 32], sizes = [1600, 16], strides = [1, 1]} : vector<1600x48xf32> to vector<1600x16xf32>
    %slice3A_6 = vector.extract_strided_slice %get3A_1 {offsets = [0, 0], sizes = [1600, 16], strides = [1, 1]} : vector<1600x48xf32> to vector<1600x16xf32>
    %mul3A = vector.broadcast %cos3A : vector<1600x1xf32> to vector<1600x16xf32>
    %mul3A_7 = arith.mulf %mul3A, %slice3A : vector<1600x16xf32>
    %mul3A_8 = vector.broadcast %sin3A : vector<1600x1xf32> to vector<1600x16xf32>
    %mul3A_9 = arith.mulf %mul3A_8, %slice3A_5 : vector<1600x16xf32>
    %sub3A = arith.subf %mul3A_7, %mul3A_9 : vector<1600x16xf32>
    %mul3A_10 = vector.broadcast %sin3A : vector<1600x1xf32> to vector<1600x16xf32>
    %mul3A_11 = arith.mulf %mul3A_10, %slice3A : vector<1600x16xf32>
    %mul3A_12 = vector.broadcast %cos3A : vector<1600x1xf32> to vector<1600x16xf32>
    %mul3A_13 = arith.mulf %mul3A_12, %slice3A_5 : vector<1600x16xf32>
    %add3A = arith.addf %mul3A_11, %mul3A_13 : vector<1600x16xf32>
    %concatenate3A = tpu.concatenate %slice3A_6, %sub3A, %add3A in 1 : vector<1600x16xf32>, vector<1600x16xf32>, vector<1600x16xf32> -> vector<1600x48xf32>
    %get3A_14 = arith.constant 0 : index
    %get3A_15 = arith.constant 0 : index
    %get3A_16 = vector.load %arg4[%get3A_14, %get3A_15] : memref<1600x20xf32, #tpu.memory_space<vmem>>, vector<1600x20xf32>
    %slice3A_17 = vector.extract_strided_slice %get3A_16 {offsets = [0, 0], sizes = [1600, 1], strides = [1, 1]} : vector<1600x20xf32> to vector<1600x1xf32>
    %mul3A_18 = vector.broadcast %slice3A_17 : vector<1600x1xf32> to vector<1600x48xf32>
    %mul3A_19 = arith.mulf %mul3A_18, %concatenate3A : vector<1600x48xf32>
    %slice3A_20 = vector.extract_strided_slice %get3A_16 {offsets = [0, 1], sizes = [1600, 1], strides = [1, 1]} : vector<1600x20xf32> to vector<1600x1xf32>
    %mul3A_21 = vector.broadcast %slice3A_20 : vector<1600x1xf32> to vector<1600x48xf32>
    %mul3A_22 = arith.mulf %mul3A_21, %concatenate3A : vector<1600x48xf32>
    %slice3A_23 = vector.extract_strided_slice %get3A_16 {offsets = [0, 2], sizes = [1600, 1], strides = [1, 1]} : vector<1600x20xf32> to vector<1600x1xf32>
    %mul3A_24 = vector.broadcast %slice3A_23 : vector<1600x1xf32> to vector<1600x48xf32>
    %mul3A_25 = arith.mulf %mul3A_24, %concatenate3A : vector<1600x48xf32>
    %slice3A_26 = vector.extract_strided_slice %get3A_16 {offsets = [0, 3], sizes = [1600, 1], strides = [1, 1]} : vector<1600x20xf32> to vector<1600x1xf32>
    %mul3A_27 = vector.broadcast %slice3A_26 : vector<1600x1xf32> to vector<1600x48xf32>
    %mul3A_28 = arith.mulf %mul3A_27, %concatenate3A : vector<1600x48xf32>
    %slice3A_29 = vector.extract_strided_slice %get3A_16 {offsets = [0, 4], sizes = [1600, 1], strides = [1, 1]} : vector<1600x20xf32> to vector<1600x1xf32>
    %mul3A_30 = vector.broadcast %slice3A_29 : vector<1600x1xf32> to vector<1600x48xf32>
    %mul3A_31 = arith.mulf %mul3A_30, %concatenate3A : vector<1600x48xf32>
    %slice3A_32 = vector.extract_strided_slice %get3A_16 {offsets = [0, 5], sizes = [1600, 1], strides = [1, 1]} : vector<1600x20xf32> to vector<1600x1xf32>
    %mul3A_33 = vector.broadcast %slice3A_32 : vector<1600x1xf32> to vector<1600x48xf32>
    %mul3A_34 = arith.mulf %mul3A_33, %concatenate3A : vector<1600x48xf32>
    %slice3A_35 = vector.extract_strided_slice %get3A_16 {offsets = [0, 6], sizes = [1600, 1], strides = [1, 1]} : vector<1600x20xf32> to vector<1600x1xf32>
    %mul3A_36 = vector.broadcast %slice3A_35 : vector<1600x1xf32> to vector<1600x48xf32>
    %mul3A_37 = arith.mulf %mul3A_36, %concatenate3A : vector<1600x48xf32>
    %slice3A_38 = vector.extract_strided_slice %get3A_16 {offsets = [0, 7], sizes = [1600, 1], strides = [1, 1]} : vector<1600x20xf32> to vector<1600x1xf32>
    %mul3A_39 = vector.broadcast %slice3A_38 : vector<1600x1xf32> to vector<1600x48xf32>
    %mul3A_40 = arith.mulf %mul3A_39, %concatenate3A : vector<1600x48xf32>
    %slice3A_41 = vector.extract_strided_slice %get3A_16 {offsets = [0, 8], sizes = [1600, 1], strides = [1, 1]} : vector<1600x20xf32> to vector<1600x1xf32>
    %mul3A_42 = vector.broadcast %slice3A_41 : vector<1600x1xf32> to vector<1600x48xf32>
    %mul3A_43 = arith.mulf %mul3A_42, %concatenate3A : vector<1600x48xf32>
    %slice3A_44 = vector.extract_strided_slice %get3A_16 {offsets = [0, 9], sizes = [1600, 1], strides = [1, 1]} : vector<1600x20xf32> to vector<1600x1xf32>
    %mul3A_45 = vector.broadcast %slice3A_44 : vector<1600x1xf32> to vector<1600x48xf32>
    %mul3A_46 = arith.mulf %mul3A_45, %concatenate3A : vector<1600x48xf32>
    %slice3A_47 = vector.extract_strided_slice %get3A_16 {offsets = [0, 10], sizes = [1600, 1], strides = [1, 1]} : vector<1600x20xf32> to vector<1600x1xf32>
    %mul3A_48 = vector.broadcast %slice3A_47 : vector<1600x1xf32> to vector<1600x48xf32>
    %mul3A_49 = arith.mulf %mul3A_48, %concatenate3A : vector<1600x48xf32>
    %slice3A_50 = vector.extract_strided_slice %get3A_16 {offsets = [0, 11], sizes = [1600, 1], strides = [1, 1]} : vector<1600x20xf32> to vector<1600x1xf32>
    %mul3A_51 = vector.broadcast %slice3A_50 : vector<1600x1xf32> to vector<1600x48xf32>
    %mul3A_52 = arith.mulf %mul3A_51, %concatenate3A : vector<1600x48xf32>
    %slice3A_53 = vector.extract_strided_slice %get3A_16 {offsets = [0, 12], sizes = [1600, 1], strides = [1, 1]} : vector<1600x20xf32> to vector<1600x1xf32>
    %mul3A_54 = vector.broadcast %slice3A_53 : vector<1600x1xf32> to vector<1600x48xf32>
    %mul3A_55 = arith.mulf %mul3A_54, %concatenate3A : vector<1600x48xf32>
    %slice3A_56 = vector.extract_strided_slice %get3A_16 {offsets = [0, 13], sizes = [1600, 1], strides = [1, 1]} : vector<1600x20xf32> to vector<1600x1xf32>
    %mul3A_57 = vector.broadcast %slice3A_56 : vector<1600x1xf32> to vector<1600x48xf32>
    %mul3A_58 = arith.mulf %mul3A_57, %concatenate3A : vector<1600x48xf32>
    %slice3A_59 = vector.extract_strided_slice %get3A_16 {offsets = [0, 14], sizes = [1600, 1], strides = [1, 1]} : vector<1600x20xf32> to vector<1600x1xf32>
    %mul3A_60 = vector.broadcast %slice3A_59 : vector<1600x1xf32> to vector<1600x48xf32>
    %mul3A_61 = arith.mulf %mul3A_60, %concatenate3A : vector<1600x48xf32>
    %slice3A_62 = vector.extract_strided_slice %get3A_16 {offsets = [0, 15], sizes = [1600, 1], strides = [1, 1]} : vector<1600x20xf32> to vector<1600x1xf32>
    %mul3A_63 = vector.broadcast %slice3A_62 : vector<1600x1xf32> to vector<1600x48xf32>
    %mul3A_64 = arith.mulf %mul3A_63, %concatenate3A : vector<1600x48xf32>
    %slice3A_65 = vector.extract_strided_slice %get3A_16 {offsets = [0, 16], sizes = [1600, 1], strides = [1, 1]} : vector<1600x20xf32> to vector<1600x1xf32>
    %mul3A_66 = vector.broadcast %slice3A_65 : vector<1600x1xf32> to vector<1600x48xf32>
    %mul3A_67 = arith.mulf %mul3A_66, %concatenate3A : vector<1600x48xf32>
    %slice3A_68 = vector.extract_strided_slice %get3A_16 {offsets = [0, 17], sizes = [1600, 1], strides = [1, 1]} : vector<1600x20xf32> to vector<1600x1xf32>
    %mul3A_69 = vector.broadcast %slice3A_68 : vector<1600x1xf32> to vector<1600x48xf32>
    %mul3A_70 = arith.mulf %mul3A_69, %concatenate3A : vector<1600x48xf32>
    %slice3A_71 = vector.extract_strided_slice %get3A_16 {offsets = [0, 18], sizes = [1600, 1], strides = [1, 1]} : vector<1600x20xf32> to vector<1600x1xf32>
    %mul3A_72 = vector.broadcast %slice3A_71 : vector<1600x1xf32> to vector<1600x48xf32>
    %mul3A_73 = arith.mulf %mul3A_72, %concatenate3A : vector<1600x48xf32>
    %slice3A_74 = vector.extract_strided_slice %get3A_16 {offsets = [0, 19], sizes = [1600, 1], strides = [1, 1]} : vector<1600x20xf32> to vector<1600x1xf32>
    %mul3A_75 = vector.broadcast %slice3A_74 : vector<1600x1xf32> to vector<1600x48xf32>
    %mul3A_76 = arith.mulf %mul3A_75, %concatenate3A : vector<1600x48xf32>
    %concatenate3A_77 = tpu.concatenate %mul3A_19, %mul3A_22, %mul3A_25, %mul3A_28, %mul3A_31, %mul3A_34, %mul3A_37, %mul3A_40, %mul3A_43, %mul3A_46, %mul3A_49, %mul3A_52, %mul3A_55, %mul3A_58, %mul3A_61, %mul3A_64, %mul3A_67, %mul3A_70, %mul3A_73, %mul3A_76 in 1 : vector<1600x48xf32>, vector<1600x48xf32>, vector<1600x48xf32>, vector<1600x48xf32>, vector<1600x48xf32>, vector<1600x48xf32>, vector<1600x48xf32>, vector<1600x48xf32>, vector<1600x48xf32>, vector<1600x48xf32>, vector<1600x48xf32>, vector<1600x48xf32>, vector<1600x48xf32>, vector<1600x48xf32>, vector<1600x48xf32>, vector<1600x48xf32>, vector<1600x48xf32>, vector<1600x48xf32>, vector<1600x48xf32>, vector<1600x48xf32> -> vector<1600x960xf32>
    %get3A_78 = arith.constant 0 : index
    %get3A_79 = arith.constant 0 : index
    %get3A_80 = vector.load %arg6[%get3A_78, %get3A_79] : memref<960x48xf32, #tpu.memory_space<vmem>>, vector<960x48xf32>
    %dot_general3A = arith.constant dense<0.000000e+00> : vector<1600x48xf32>
    %dot_general3A_81 = tpu.matmul %concatenate3A_77, %get3A_80, %dot_general3A {dimension_numbers = #tpu.dot_dimension_numbers<[1], [0], [0], [1], [0, 0, 1, 1], [], []>, transpose_lhs_hint = false} : vector<1600x960xf32>, vector<960x48xf32>, vector<1600x48xf32> -> vector<1600x48xf32>
    %get3A_82 = arith.constant 0 : index
    %get3A_83 = arith.constant 0 : index
    %get3A_84 = vector.load %arg1[%get3A_82, %get3A_83] : memref<1600x128xf32, #tpu.memory_space<vmem>>, vector<1600x48xf32>
    %get3A_85 = arith.constant 0 : index
    %get3A_86 = arith.constant 0 : index
    %get3A_87 = vector.load %arg5[%get3A_85, %get3A_86] : memref<1600x4xf32, #tpu.memory_space<vmem>>, vector<1600x4xf32>
    %slice3A_88 = vector.extract_strided_slice %get3A_87 {offsets = [0, 0], sizes = [1600, 1], strides = [1, 1]} : vector<1600x4xf32> to vector<1600x1xf32>
    %mul3A_89 = vector.broadcast %slice3A_88 : vector<1600x1xf32> to vector<1600x48xf32>
    %mul3A_90 = arith.mulf %mul3A_89, %get3A_84 : vector<1600x48xf32>
    %slice3A_91 = vector.extract_strided_slice %get3A_87 {offsets = [0, 1], sizes = [1600, 1], strides = [1, 1]} : vector<1600x4xf32> to vector<1600x1xf32>
    %mul3A_92 = vector.broadcast %slice3A_91 : vector<1600x1xf32> to vector<1600x48xf32>
    %mul3A_93 = arith.mulf %mul3A_92, %get3A_84 : vector<1600x48xf32>
    %slice3A_94 = vector.extract_strided_slice %get3A_87 {offsets = [0, 2], sizes = [1600, 1], strides = [1, 1]} : vector<1600x4xf32> to vector<1600x1xf32>
    %mul3A_95 = vector.broadcast %slice3A_94 : vector<1600x1xf32> to vector<1600x48xf32>
    %mul3A_96 = arith.mulf %mul3A_95, %get3A_84 : vector<1600x48xf32>
    %slice3A_97 = vector.extract_strided_slice %get3A_87 {offsets = [0, 3], sizes = [1600, 1], strides = [1, 1]} : vector<1600x4xf32> to vector<1600x1xf32>
    %mul3A_98 = vector.broadcast %slice3A_97 : vector<1600x1xf32> to vector<1600x48xf32>
    %mul3A_99 = arith.mulf %mul3A_98, %get3A_84 : vector<1600x48xf32>
    %concatenate3A_100 = tpu.concatenate %mul3A_90, %mul3A_93, %mul3A_96, %mul3A_99 in 1 : vector<1600x48xf32>, vector<1600x48xf32>, vector<1600x48xf32>, vector<1600x48xf32> -> vector<1600x192xf32>
    %get3A_101 = arith.constant 0 : index
    %get3A_102 = arith.constant 0 : index
    %get3A_103 = vector.load %arg7[%get3A_101, %get3A_102] : memref<192x48xf32, #tpu.memory_space<vmem>>, vector<192x48xf32>
    %dot_general3A_104 = arith.constant dense<0.000000e+00> : vector<1600x48xf32>
    %dot_general3A_105 = tpu.matmul %concatenate3A_100, %get3A_103, %dot_general3A_104 {dimension_numbers = #tpu.dot_dimension_numbers<[1], [0], [0], [1], [0, 0, 1, 1], [], []>, transpose_lhs_hint = false} : vector<1600x192xf32>, vector<192x48xf32>, vector<1600x48xf32> -> vector<1600x48xf32>
    %mul3A_106 = arith.mulf %dot_general3A_81, %dot_general3A_105 : vector<1600x48xf32>
    %slice3A_107 = vector.extract_strided_slice %mul3A_106 {offsets = [0, 0], sizes = [1600, 8], strides = [1, 1]} : vector<1600x48xf32> to vector<1600x8xf32>
    %slice3A_108 = vector.extract_strided_slice %mul3A_106 {offsets = [0, 16], sizes = [1600, 8], strides = [1, 1]} : vector<1600x48xf32> to vector<1600x8xf32>
    %add3A_109 = arith.addf %slice3A_107, %slice3A_108 : vector<1600x8xf32>
    %slice3A_110 = vector.extract_strided_slice %mul3A_106 {offsets = [0, 32], sizes = [1600, 8], strides = [1, 1]} : vector<1600x48xf32> to vector<1600x8xf32>
    %add3A_111 = arith.addf %add3A_109, %slice3A_110 : vector<1600x8xf32>
    %slice3A_112 = vector.extract_strided_slice %mul3A_106 {offsets = [0, 8], sizes = [1600, 8], strides = [1, 1]} : vector<1600x48xf32> to vector<1600x8xf32>
    %slice3A_113 = vector.extract_strided_slice %mul3A_106 {offsets = [0, 24], sizes = [1600, 8], strides = [1, 1]} : vector<1600x48xf32> to vector<1600x8xf32>
    %add3A_114 = arith.addf %slice3A_112, %slice3A_113 : vector<1600x8xf32>
    %slice3A_115 = vector.extract_strided_slice %mul3A_106 {offsets = [0, 40], sizes = [1600, 8], strides = [1, 1]} : vector<1600x48xf32> to vector<1600x8xf32>
    %add3A_116 = arith.addf %add3A_114, %slice3A_115 : vector<1600x8xf32>
    %reduce_sum3A = arith.constant dense<0.000000e+00> : vector<1600xf32>
    %reduce_sum3A_117 = vector.multi_reduction <add>, %add3A_111, %reduce_sum3A [1] : vector<1600x8xf32> to vector<1600xf32>
    %broadcast_in_dim3A = vector.shape_cast %reduce_sum3A_117 : vector<1600xf32> to vector<1600x1xf32>
    %mul3A_118 = arith.constant 0.204124153 : f32
    %mul3A_119 = vector.broadcast %mul3A_118 : f32 to vector<1600x1xf32>
    %mul3A_120 = arith.mulf %broadcast_in_dim3A, %mul3A_119 : vector<1600x1xf32>
    %reduce_sum3A_121 = arith.constant dense<0.000000e+00> : vector<1600xf32>
    %reduce_sum3A_122 = vector.multi_reduction <add>, %add3A_116, %reduce_sum3A_121 [1] : vector<1600x8xf32> to vector<1600xf32>
    %broadcast_in_dim3A_123 = vector.shape_cast %reduce_sum3A_122 : vector<1600xf32> to vector<1600x1xf32>
    %mul3A_124 = arith.constant 0.204124153 : f32
    %mul3A_125 = vector.broadcast %mul3A_124 : f32 to vector<1600x1xf32>
    %mul3A_126 = arith.mulf %broadcast_in_dim3A_123, %mul3A_125 : vector<1600x1xf32>
    %concatenate3A_127 = tpu.concatenate %mul3A_120, %mul3A_126 in 1 : vector<1600x1xf32>, vector<1600x1xf32> -> vector<1600x2xf32>
    %swap3A = arith.constant 0 : index
    %swap3A_128 = arith.constant 0 : index
    %swap3A_129 = vector.load %arg8[%swap3A, %swap3A_128] : memref<1600x2xf32, #tpu.memory_space<vmem>>, vector<1600x2xf32>
    tpu.vector_store %arg8[%swap3A, %swap3A_128], %concatenate3A_127 {strides = array<i32>} : memref<1600x2xf32, #tpu.memory_space<vmem>>, vector<1600x2xf32>,
    return
  }
  func.func @transform_0(%arg0: i32) -> (i32, i32) {
    %c0_i32 = arith.constant 0 : i32
    %c0_i32_0 = arith.constant 0 : i32
    return %arg0, %c0_i32 : i32, i32
  }
  func.func @transform_1(%arg0: i32) -> (i32, i32) {
    %c0_i32 = arith.constant 0 : i32
    %c0_i32_0 = arith.constant 0 : i32
    return %arg0, %c0_i32 : i32, i32
  }
  func.func @transform_2(%arg0: i32) -> (i32, i32) {
    %c0_i32 = arith.constant 0 : i32
    %c0_i32_0 = arith.constant 0 : i32
    return %arg0, %c0_i32 : i32, i32
  }
  func.func @transform_3(%arg0: i32) -> (i32, i32) {
    %c0_i32 = arith.constant 0 : i32
    %c0_i32_0 = arith.constant 0 : i32
    return %arg0, %c0_i32 : i32, i32
  }
  func.func @transform_4(%arg0: i32) -> (i32, i32) {
    %c0_i32 = arith.constant 0 : i32
    %c0_i32_0 = arith.constant 0 : i32
    return %arg0, %c0_i32 : i32, i32
  }
  func.func @transform_5(%arg0: i32) -> (i32, i32) {
    %c0_i32 = arith.constant 0 : i32
    %c0_i32_0 = arith.constant 0 : i32
    %c0_i32_1 = arith.constant 0 : i32
    return %c0_i32, %c0_i32_0 : i32, i32
  }
  func.func @transform_6(%arg0: i32) -> (i32, i32) {
    %c0_i32 = arith.constant 0 : i32
    %c0_i32_0 = arith.constant 0 : i32
    %c0_i32_1 = arith.constant 0 : i32
    return %c0_i32, %c0_i32_0 : i32, i32
  }
  func.func @transform_7(%arg0: i32) -> (i32, i32) {
    %c0_i32 = arith.constant 0 : i32
    %c0_i32_0 = arith.constant 0 : i32
    return %arg0, %c0_i32 : i32, i32
  }
}

</mosaic_0001>

<sc_bundles>
// kernel: kernel.5.cloned.1.call-start
scs
__scs_entry_jumppad:
0x0: {  	(pc) =	sbr.rel $0x88, $3  }
0x1: {  	(tag) =	ssettag $0x0;
	lr =	simm.s32 $0x1  }
0x2: {  	[smem:$0x3F9A] =	sst lr;
	_ =	strace $0xD0000000  }
0x3: {  	_ = 	snop  }
0x4: {  	_ = 	snop  }
0x5: {  	_ = 	snop  }
0x6: {  	_ = 	snop  }
0x7: {  	_ = 	snop  }
__scs_overlays_trampoline_lowered:
0x8: {  	[smem:$0x3FA9] =	sst s0  }
0x9: {  	[smem:$0x3FAA] =	sst s1  }
0xa: {  	[smem:$0x3FAB] =	sst s2  }
0xb: {  	[smem:$0x3FAC] =	sst s3  }
0xc: {  	[smem:$0x3FAD] =	sst s4  }
0xd: {  	[smem:$0x3FAE] =	sst s5  }
0xe: {  	[smem:$0x3FAF] =	sst s6  }
0xf: {  	[smem:$0x3FB0] =	sst s7  }
0x10: {  	[smem:$0x3FB1] =	sst s8  }
0x11: {  	[smem:$0x3FB2] =	sst s9;
	s0 =	simm.s32 @!p0 $0x0  }
0x12: {  	s1 =	sld [smem:$0x3F98];
	s0 =	simm.s32 @p0 $0x1  }
0x13: {  	[smem:$0x3FB3] =	sst s0;
	s0 =	simm.s32 @!p1 $0x0  }
0x14: {  	s2 =	sld [smem:$0x3F97];
	s0 =	simm.s32 @p1 $0x1  }
0x15: {  	[smem:$0x3FB4] =	sst s0;
	s0 =	simm.s32 @!p2 $0x0  }
0x16: {  	s3 =	sld [smem:$0x3FDB];
	s0 =	simm.s32 @p2 $0x1  }
0x17: {  	s4 =	simm.s32 $0x1BF5;
	[smem:$0x3FB6] =	sst s0  }
0x18: {  	s0 =	sld [smem:$0x3F99];
	_ =	swait.ge [sflag:s4], $0x0  }
0x19: {  	s7 =	sld [smem:$0x3F9A]  }
0x1a: {  	s8 =	sadd.s32 $0xFFFFE003, lr  }
0x1b: {  	s9 =	sadd.s32 $0xFFFFFEF7, lr;
	s5 =	simm.s32 $0xFFFFFFFF;
	p2 =	slt.u32 s8, $0xFFFFF086  }
0x1c: {  	p1 =	slt.u32 s9, $0xF7A;
	s5 =	simm.s32 @!p2 $0x0  }
0x1d: {  	s5 =	simm.s32 @p1 $0x1;
	p0 =	seq.s32 s7, s2  }
0x1e: {  	s7 =	smul.u32 @!p0 $0xF7A, s2;
	p2 =	seq.s32 @!p0 s5, $0x0  }
0x1f: {  	s9 =	smul.u32 $0xF7A, s1;
	s8 =	simm.s32 @!p0 $0x1BF5;
	p2 =	por !p2, p0  }
0x20: {  	[sflag:s8] =	ssyncset.s32 @!p0 $0xFFFFF086;
	s6 =	sadd.s32 @!p0 s3, s7;
	s7 =	simm.s32 @!p0 $0x108  }
0x21: {  	s3 =	sadd.s32 s3, s9;
	s6 =	sadd.s32 @!p0 $0x88, s6;
	s7 =	simm.s32 @p2 $0x1082  }
0x22: {  	[simem:s7], [sflag:s8] =	dma.local @!p0 [hbm:s6], $0xF7A  }
0x23: {  	s9 =	sor.u32 $0xD0000000, s2;
	s6 =	simm.s32 $0x108;
	_ =	swait.ge @!p0 [sflag:s8], $0x0  }
0x24: {  	s3 =	sadd.s32 $0x88, s3;
	s6 =	simm.s32 @!p1 $0x1082;
	[sflag:s4] =	ssyncset.s32 $0xFFFFF086  }
0x25: {  	[simem:s6], [sflag:s4] =	dma.local [hbm:s3], $0xF7A  }
0x26: {  	[smem:$0x3F9A] =	sst s1;
	(tag) =	ssettag s2;
	_ =	strace s9  }
0x27: {  	s1 =	sld [smem:$0x3FAA]  }
0x28: {  	s2 =	sld [smem:$0x3FAB]  }
0x29: {  	s4 =	sld [smem:$0x3FAD]  }
0x2a: {  	p0 =	seq.s32 s5, $0x0;
	s5 =	sld [smem:$0x3FAE]  }
0x2b: {  	s6 =	sld [smem:$0x3FAF]  }
0x2c: {  	s7 =	sld [smem:$0x3FB0]  }
0x2d: {  	s3 =	simm.s32 $0x108;
	s8 =	sld [smem:$0x3FB1]  }
0x2e: {  	s3 =	simm.s32 @!p0 $0x1082;
	s9 =	sld [smem:$0x3FB2]  }
0x2f: {  	lr =	sadd.s32 s0, s3;
	s0 =	sld [smem:$0x3FA9]  }
0x30: {  	s3 =	sld [smem:$0x3FAC]  }
0x31: {  	[smem:$0x3FB5] =	sst s10  }
0x32: {  	s10 =	sld [smem:$0x3FB3];
	_ =	sdelay $0x3  }
0x33: {  	p0 =	seq.s32 s10, $0x1;
	s10 =	sld [smem:$0x3FB5];
	_ =	sdelay $0x3  }
0x34: {  	[smem:$0x3FB5] =	sst s10  }
0x35: {  	s10 =	sld [smem:$0x3FB4];
	_ =	sdelay $0x3  }
0x36: {  	p1 =	seq.s32 s10, $0x1;
	s10 =	sld [smem:$0x3FB5];
	_ =	sdelay $0x3  }
0x37: {  	[smem:$0x3FB5] =	sst s10  }
0x38: {  	s10 =	sld [smem:$0x3FB6]  }
0x39: {  	_ = 	snop;
	(pc) =	sbr.ind lr, $3  }
0x3a: {  	_ = 	snop  }
0x3b: {  	_ = 	snop  }
0x3c: {  	p2 =	seq.s32 s10, $0x1;
	s10 =	sld [smem:$0x3FB5]  }
0x3d: {  	_ =	shalt  }
0x3e: {  	_ =	shalt  }
0x3f: {  	_ =	shalt  }
0x40: {  	_ =	shalt  }
0x41: {  	_ =	shalt  }
0x42: {  	_ =	shalt  }
0x43: {  	_ =	shalt  }
0x44: {  	_ =	shalt  }
0x45: {  	_ =	shalt  }
0x46: {  	_ =	shalt  }
0x47: {  	_ =	shalt  }
0x48: {  	_ =	shalt  }
0x49: {  	_ =	shalt  }
0x4a: {  	_ =	shalt  }
0x4b: {  	_ =	shalt  }
0x4c: {  	_ =	shalt  }
0x4d: {  	_ =	shalt  }
0x4e: {  	_ =	shalt  }
0x4f: {  	_ =	shalt  }
0x50: {  	_ =	shalt  }
0x51: {  	_ =	shalt  }
0x52: {  	_ =	shalt  }
0x53: {  	_ =	shalt  }
0x54: {  	_ =	shalt  }
0x55: {  	_ =	shalt  }
0x56: {  	_ =	shalt  }
0x57: {  	_ =	shalt  }
0x58: {  	_ =	shalt  }
0x59: {  	_ =	shalt  }
0x5a: {  	_ =	shalt  }
0x5b: {  	_ =	shalt  }
0x5c: {  	_ =	shalt  }
0x5d: {  	_ =	shalt  }
0x5e: {  	_ =	shalt  }
0x5f: {  	_ =	shalt  }
0x60: {  	_ =	shalt  }
0x61: {  	_ =	shalt  }
0x62: {  	_ =	shalt  }
0x63: {  	_ =	shalt  }
0x64: {  	_ =	shalt  }
0x65: {  	_ =	shalt  }
0x66: {  	_ =	shalt  }
0x67: {  	_ =	shalt  }
0x68: {  	_ =	shalt  }
0x69: {  	_ =	shalt  }
0x6a: {  	_ =	shalt  }
0x6b: {  	_ =	shalt  }
0x6c: {  	_ =	shalt  }
0x6d: {  	_ =	shalt  }
0x6e: {  	_ =	shalt  }
0x6f: {  	_ =	shalt  }
0x70: {  	_ =	shalt  }
0x71: {  	_ =	shalt  }
0x72: {  	_ =	shalt  }
0x73: {  	_ =	shalt  }
0x74: {  	_ =	shalt  }
0x75: {  	_ =	shalt  }
0x76: {  	_ =	shalt  }
0x77: {  	_ =	shalt  }
0x78: {  	_ =	shalt  }
0x79: {  	_ =	shalt  }
0x7a: {  	_ =	shalt  }
0x7b: {  	_ =	shalt  }
0x7c: {  	_ =	shalt  }
0x7d: {  	_ =	shalt  }
0x7e: {  	_ =	shalt  }
0x7f: {  	_ =	shalt  }
0x80: {  	_ =	shalt  }
0x81: {  	_ =	shalt  }
0x82: {  	_ =	shalt  }
0x83: {  	_ =	shalt  }
0x84: {  	_ =	shalt  }
0x85: {  	_ =	shalt  }
0x86: {  	_ =	shalt  }
0x87: {  	_ =	shalt  }
.Lfunc_end0:
.L_simem_size_0:
called_computation_lowered:
.L_overlay_start_0:
0x88: {  	s2 =	sld [smem:$0x3FD9]  }
0x89: {  	s3 =	sld [smem:$0x3FFE];
	_ =	sdelay $0x1  }
0x8a: {  	s1 =	srdreg.scid  }
0x8b: {  	s0 =	sand.u32 $0x1, s1  }
0x8c: {  	s17 =	sshll.u32 s0, $0xA;
	s2 =	sadd.s32 s3, s2  }
0x8d: {  	s2 =	sadd.s32 s2, s17  }
0x8e: {  	[smem:$0x3FC1] =	sst s2  }
0x8f: {  	_ = 	snop  }
0x90: {  	s2 =	sld [smem:$0x3FD0];
	(tm) =	ssettm $0x1  }
0x91: {  	s18 =	sld [smem:$0x3FFB];
	_ =	sdelay $0x3  }
0x92: {  	_ =	strace s18  }
0x93: {  	s3 =	sld [smem:$0x3FFC];
	_ =	sdelay $0x3  }
0x94: {  	_ =	strace s3  }
0x95: {  	s3 =	sld [smem:$0x3FFD];
	_ =	sdelay $0x3  }
0x96: {  	_ =	strace s3  }
0x97: {  	_ =	strace $0x8FFFFFFF  }
0x98: {  	s19 =	sld [smem:$0x3FDB];
	_ =	sdelay $0x1  }
0x99: {  	s4 =	simm.s32 $_scs_section_size  }
0x9a: {  	s5 =	simm.s32 $_size__tile_overlayer_lowered;
	s6 =	simm.s32 $_tile_overlayer_lowered  }
0x9b: {  	s22 =	simm.s32 $0x1BFF;
	s21 =	sshll.u32 s6, $0x1;
	s3 =	sadd.s32 s4, s19  }
0x9c: {  	s7 =	simm.s32 $0x0;
	s20 =	sshll.u32 s5, $0x1;
	s5 =	sadd.s32 s21, s3  }
0x9d: {  	[timem:s7], [sflag:s22] =	dma.local [hbm:s5], s20  }
0x9e: {  	_ =	swait.ge [sflag:s22], s20  }
0x9f: {  	s4 =	ssub.s32 $0x0, s20;
	[sflag:s22] =	ssyncset.done $0x0  }
0xa0: {  	[sflag:s22] =	ssyncadd.s32 s4;
	_ =	sdelay $0x1  }
0xa1: {  	s23 =	simm.s32 $0x1B8B  }
0xa2: {  	_ =	swait.ge [sflag:s23], $0x1  }
0xa3: {  	[sflag:s23] =	ssyncset.done $0x0  }
0xa4: {  	s25 =	simm.s32 $0x1B8E;
	s24 =	sld [smem:$0x3FFE];
	[sflag:s23] =	ssyncadd.s32 $0xFFFFFFFF  }
0xa5: {  	s26 =	simm.s32 $execute0_lowered;
	[smem:$0x3FD2] =	sst s25  }
0xa6: {  	s5 =	sshll.u32 s26, $0x1;
	_ =	strace $0x80000046;
	[dreg:$0x1] =	wrdreg $0xFFFFFFFF  }
0xa7: {  	s28 =	simm.s32 $_size_execute0_lowered;
	s3 =	sadd.s32 s3, s5;
	[dreg:$0x0] =	wrdreg $0x0  }
0xa8: {  	s5 =	sshll.u32 s28, $0x1;
	[dreg:$0x2] =	wrdreg s3  }
0xa9: {  	[dreg:$0x3] =	wrdreg s5  }
0xaa: {  	[dreg:$0x4] =	wrdreg $0xC0  }
0xab: {  	_ =	task [dreg:s7], $0x5FFFF  }
0xac: {  	[dreg:$0x1] =	wrdreg $0xFFFFFFFF  }
0xad: {  	[dreg:$0x0] =	wrdreg $0x60  }
0xae: {  	[dreg:$0x2] =	wrdreg s24  }
0xaf: {  	[dreg:$0x3] =	wrdreg s2  }
0xb0: {  	[dreg:$0x4] =	wrdreg $0x9  }
0xb1: {  	_ =	task.clear_ibuf [dreg:s7], $0x5FFFF;
	_ =	strace $0x90000046  }
0xb2: {  	s29 =	simm.s32 $0x9;
	_ =	strace $0x80000048  }
0xb3: {  	_ =	swait.ge [sflag:s29], $0x1  }
0xb4: {  	[sflag:s29] =	ssyncadd.s32 $0xFFFFFFFF  }
0xb5: {  	_ =	strace $0x90000048  }
0xb6: {  	_ =	sfence  }
0xb7: {  	s30 =	sld [smem:$0x0];
	_ =	sdelay $0x2  }
0xb8: {  	s31 =	sshll.u32 s1, $0xD;
	s1 =	sshrl.u32 s1, $0x2  }
0xb9: {  	s3 =	sand.u32 $0x4000, s31;
	s1 =	sadd.s32 s1, s30  }
0xba: {  	s0 =	sor.u32 s3, s0;
	s1 =	sshll.u32 s1, $0x11  }
0xbb: {  	s0 =	sor.u32 s1, s0  }
0xbc: {  	s0 =	sadd.s32 $0x8F2B, s0  }
0xbd: {  	[sflag:s0] =	ssyncadd.remote.s32 $0x1  }
0xbe: {  	_ =	sfence.sel $0xFFFF  }
0xbf: {  	[dreg:$0x0] =	wrdreg $0xFFFFFFFF;
	(pc) =	sbr.abs _section_cstart, $3  }
0xc0: {  	[dreg:$0x1] =	wrdreg $0xFFFFFFFF  }
0xc1: {  	_ =	task.clear_ibuf [dreg:s7], $0x2FFFF;
	_ =	strace $0x9FFFFFFF  }
0xc2: {  	(tm) =	ssettm $0x7FFFFFFF  }
0xc3: {  	_ =	shalt  }
tec
execute0_lowered:
.L_overlay_start_1:
0x0: {  	(tag) =	ssettag $0x1  }
0x1: {  	s4 =	rddreg [dreg:$0x0]  }
0x2: {  	s6 =	rddreg [dreg:$0x1]  }
0x3: {  	s0 =	rddreg [dreg:$0x2];
	s1 =	simm.s32 $0x0;
	s2 =	srdreg.scid  }
0x4: {  	[smem:$0x7FF] =	sst s1;
	s7 =	sand.u32 $0x1, s2  }
0x5: {  	s2 =	stileid.u32;
	s3 =	sadd.s32 $0x7200, s4;
	_ =	strace $0x80000047  }
0x6: {  	s5 =	ssub.s32 $0x2, s7;
	s8 =	sshll.u32 s2, $0x5;
	s30 =	sshll.u32 s2, $0xC  }
0x7: {  	s31 =	sshll.u32 s7, $0x4;
	s7 =	sshll.u32 s7, $0xB;
	s9 =	sshrl.u32 s5, $0x1  }
0x8: {  	s10 =	sadd.s32 s8, s4;
	s6 =	sadd.s32 s8, s6;
	s5 =	ssub.s32 s5, s9  }
0x9: {  	s9 =	sadd.s32 s30, s4;
	s4 =	sshll.u32 s2, $0x1;
	s6 =	sadd.s32 s31, s6  }
0xa: {  	s8 =	sadd.s32 s31, s10;
	s5 =	smax.u32 s5, $0x1;
	s9 =	sadd.s32 s7, s9  }
0xb: {  	s7 =	sadd.s32 $0x2200, s8;
	s8 =	sadd.s32 $0x29F400, s9;
	s9 =	sadd.s32 $0x2E400, s9  }
.LBB2_1:
0xc: {  	p0 =	sgt.u32 s4, $0x4E1  }
0xd: {  	s10 =	sadd.s32 @!p0 $0x0, s7;
	s11 =	simm.s32 @!p0 $0x0;
	s14 =	simm.s32 @!p0 $0x4  }
0xe: {  	[tilespmem:s11], [sflag:$0x4] =	stream.linear.gather @!p0 [hbm4b:s10+s11], $0x80, $0x38;
	[tilespmem:$0x8100] =	vst v63  }
0xf: {  	_ =	swait.ge @!p0 [sflag:s14], $0x80;
	p0 =	por p0, p0  }
0x10: {  	[sflag:s14] =	ssyncset.done @!p0 $0x0  }
0x11: {  	s10 =	sadd.s32 @!p0 $0x0, s6;
	s12 =	simm.s32 @!p0 $0x80;
	[sflag:s14] =	ssyncadd.s32 @!p0 $0xFFFFFF80  }
0x12: {  	[tilespmem:s12], [sflag:$0x4] =	stream.linear.gather @!p0 [hbm4b:s10+s11], $0x80, $0x38;
	[tilespmem:$0x8100] =	vst v63  }
0x13: {  	_ =	swait.ge @!p0 [sflag:s14], $0x80  }
0x14: {  	[sflag:s14] =	ssyncset.done @!p0 $0x0  }
0x15: {  	s10 =	simm.s32 @!p0 $0x100;
	[sflag:s14] =	ssyncadd.s32 @!p0 $0xFFFFFF80  }
0x16: {  	[tilespmem:s10], [sflag:$0x1] =	stream.indirect.gather @!p0 [hbm4b:s3+s12], $0x80, s11, s12, $0xb8;
	[tilespmem:$0x8100] =	vst v63  }
0x17: {  	s15 =	simm.s32 @!p0 $0x4100;
	s13 =	simm.s32 @!p0 $0x1  }
0x18: {  	[tilespmem:s15], [sflag:$0x2] =	stream.indirect.gather @!p0 [hbm4b:s3+s12], $0x80, s12, s12, $0xb8;
	[tilespmem:$0x8100] =	vst v63  }
0x19: {  	_ =	swait.ge @!p0 [sflag:s13], $0x4000  }
0x1a: {  	[sflag:s13] =	ssyncset.done @!p0 $0x0  }
0x1b: {  	s12 =	simm.s32 @!p0 $0x2;
	[sflag:s13] =	ssyncadd.s32 @!p0 $0xFFFFC000  }
0x1c: {  	_ =	swait.ge @!p0 [sflag:s12], $0x4000  }
0x1d: {  	[sflag:s12] =	ssyncset.done @!p0 $0x0  }
0x1e: {  	[sflag:s12] =	ssyncadd.s32 @!p0 $0xFFFFC000  }
0x1f: {  	[hbm4b:s9+s11] =	stream.linear.scatter @!p0 [tilespmem:s10], [sflag:$0x4], $0x4000, $0x38;
	[tilespmem:$0x8100] =	vst v63  }
0x20: {  	_ =	swait.ge @!p0 [sflag:s14], $0x4000  }
0x21: {  	[sflag:s14] =	ssyncset.done @!p0 $0x0  }
0x22: {  	s13 =	simm.s32 $0x400;
	s12 =	simm.s32 $0x200;
	[sflag:s14] =	ssyncadd.s32 @!p0 $0xFFFFC000  }
0x23: {  	[hbm4b:s8+s11] =	stream.linear.scatter @!p0 [tilespmem:s15], [sflag:$0x3], $0x4000, $0x38;
	[tilespmem:$0x8100] =	vst v63  }
0x24: {  	s10 =	sadd.s32 $0x10000, s9;
	s14 =	sadd.s32 $0x20, s4;
	s15 =	simm.s32 @!p0 $0x3  }
0x25: {  	p2 =	sgt.u32 s14, $0x4E1;
	s11 =	sadd.s32 $0x10000, s8;
	_ =	swait.ge @!p0 [sflag:s15], $0x4000  }
.LBB2_2:
0x26: {  	s16 =	sadd.s32 @!p2 s12, s7  }
0x27: {  	s17 =	simm.s32 @!p2 $0x0;
	[sflag:s15] =	ssyncset.done @!p0 $0x0;
	s18 =	smov.u32 s13  }
0x28: {  	s13 =	sadd.s32 $0x200, s13;
	s19 =	simm.s32 @!p2 $0x4;
	[sflag:s15] =	ssyncadd.s32 @!p0 $0xFFFFC000  }
0x29: {  	[tilespmem:s17], [sflag:$0x4] =	stream.linear.gather @!p2 [hbm4b:s16+s17], $0x80, $0x38;
	[tilespmem:$0x8100] =	vst v63  }
0x2a: {  	p1 =	sne.s32 s13, $0x5000;
	p0 =	por p2, p2;
	_ =	swait.ge @!p2 [sflag:s19], $0x80  }
0x2b: {  	[sflag:s19] =	ssyncset.done @!p0 $0x0  }
0x2c: {  	s12 =	sadd.s32 @!p0 s12, s6;
	s15 =	simm.s32 @!p0 $0x80;
	[sflag:s19] =	ssyncadd.s32 @!p0 $0xFFFFFF80  }
0x2d: {  	[tilespmem:s15], [sflag:$0x4] =	stream.linear.gather @!p0 [hbm4b:s12+s17], $0x80, $0x38;
	[tilespmem:$0x8100] =	vst v63  }
0x2e: {  	s12 =	smov.u32 s18;
	_ =	swait.ge @!p0 [sflag:s19], $0x80  }
0x2f: {  	[sflag:s19] =	ssyncset.done @!p0 $0x0  }
0x30: {  	s16 =	simm.s32 @!p0 $0x100;
	[sflag:s19] =	ssyncadd.s32 @!p0 $0xFFFFFF80  }
0x31: {  	[tilespmem:s16], [sflag:$0x1] =	stream.indirect.gather @!p0 [hbm4b:s3+s15], $0x80, s17, s15, $0xb8;
	[tilespmem:$0x8100] =	vst v63  }
0x32: {  	s20 =	simm.s32 @!p0 $0x1;
	s18 =	simm.s32 @!p0 $0x4100  }
0x33: {  	[tilespmem:s18], [sflag:$0x2] =	stream.indirect.gather @!p0 [hbm4b:s3+s15], $0x80, s15, s15, $0xb8;
	[tilespmem:$0x8100] =	vst v63  }
0x34: {  	_ =	swait.ge @!p0 [sflag:s20], $0x4000  }
0x35: {  	[sflag:s20] =	ssyncset.done @!p0 $0x0  }
0x36: {  	s15 =	simm.s32 @!p0 $0x2;
	[sflag:s20] =	ssyncadd.s32 @!p0 $0xFFFFC000  }
0x37: {  	_ =	swait.ge @!p0 [sflag:s15], $0x4000  }
0x38: {  	[sflag:s15] =	ssyncset.done @!p0 $0x0  }
0x39: {  	[sflag:s15] =	ssyncadd.s32 @!p0 $0xFFFFC000  }
0x3a: {  	[hbm4b:s10+s17] =	stream.linear.scatter @!p0 [tilespmem:s16], [sflag:$0x4], $0x4000, $0x38;
	[tilespmem:$0x8100] =	vst v63  }
.Ltmp0:
0x3b: {  	_ =	swait.ge @!p0 [sflag:s19], $0x4000;
	(pc) =	sbr.rel @p1 .LBB2_2-.Ltmp0, $4  }
0x3c: {  	s10 =	sadd.s32 $0x10000, s10;
	[sflag:s19] =	ssyncset.done @!p0 $0x0  }
0x3d: {  	s14 =	sadd.s32 $0x20, s14;
	s15 =	simm.s32 @!p0 $0x3;
	[sflag:s19] =	ssyncadd.s32 @!p0 $0xFFFFC000  }
0x3e: {  	[hbm4b:s11+s17] =	stream.linear.scatter @!p0 [tilespmem:s18], [sflag:$0x3], $0x4000, $0x38;
	[tilespmem:$0x8100] =	vst v63  }
0x3f: {  	p2 =	sgt.u32 s14, $0x4E1;
	s11 =	sadd.s32 $0x10000, s11;
	_ =	swait.ge @!p0 [sflag:s15], $0x4000  }
0x40: {  	s13 =	sadd.s32 @!p2 s12, s7;
	[sflag:s15] =	ssyncset.done @!p0 $0x0  }
0x41: {  	s14 =	simm.s32 @!p2 $0x0;
	s16 =	simm.s32 @!p2 $0x4;
	[sflag:s15] =	ssyncadd.s32 @!p0 $0xFFFFC000  }
0x42: {  	[tilespmem:s14], [sflag:$0x4] =	stream.linear.gather @!p2 [hbm4b:s13+s14], $0x80, $0x38;
	[tilespmem:$0x8100] =	vst v63  }
0x43: {  	p0 =	por p2, p2;
	_ =	swait.ge @!p2 [sflag:s16], $0x80  }
0x44: {  	[sflag:s16] =	ssyncset.done @!p0 $0x0  }
0x45: {  	s12 =	sadd.s32 @!p0 s12, s6;
	s13 =	simm.s32 @!p0 $0x80;
	[sflag:s16] =	ssyncadd.s32 @!p0 $0xFFFFFF80  }
0x46: {  	[tilespmem:s13], [sflag:$0x4] =	stream.linear.gather @!p0 [hbm4b:s12+s14], $0x80, $0x38;
	[tilespmem:$0x8100] =	vst v63  }
0x47: {  	_ =	swait.ge @!p0 [sflag:s16], $0x80  }
0x48: {  	[sflag:s16] =	ssyncset.done @!p0 $0x0  }
0x49: {  	s12 =	simm.s32 @!p0 $0x100;
	[sflag:s16] =	ssyncadd.s32 @!p0 $0xFFFFFF80  }
0x4a: {  	[tilespmem:s12], [sflag:$0x1] =	stream.indirect.gather @!p0 [hbm4b:s3+s13], $0x80, s14, s13, $0xb8;
	[tilespmem:$0x8100] =	vst v63  }
0x4b: {  	s15 =	simm.s32 @!p0 $0x4100;
	s17 =	simm.s32 @!p0 $0x1  }
0x4c: {  	[tilespmem:s15], [sflag:$0x2] =	stream.indirect.gather @!p0 [hbm4b:s3+s13], $0x80, s13, s13, $0xb8;
	[tilespmem:$0x8100] =	vst v63  }
0x4d: {  	_ =	swait.ge @!p0 [sflag:s17], $0x4000  }
0x4e: {  	[sflag:s17] =	ssyncset.done @!p0 $0x0  }
0x4f: {  	s13 =	simm.s32 @!p0 $0x2;
	[sflag:s17] =	ssyncadd.s32 @!p0 $0xFFFFC000  }
0x50: {  	_ =	swait.ge @!p0 [sflag:s13], $0x4000  }
0x51: {  	[sflag:s13] =	ssyncset.done @!p0 $0x0  }
0x52: {  	[sflag:s13] =	ssyncadd.s32 @!p0 $0xFFFFC000  }
0x53: {  	[hbm4b:s10+s14] =	stream.linear.scatter @!p0 [tilespmem:s12], [sflag:$0x4], $0x4000, $0x38;
	[tilespmem:$0x8100] =	vst v63  }
0x54: {  	s1 =	sadd.s32 $0x1, s1;
	_ =	swait.ge @!p0 [sflag:s16], $0x4000  }
0x55: {  	p1 =	sne.s32 s1, s5;
	[sflag:s16] =	ssyncset.done @!p0 $0x0  }
.Ltmp1:
0x56: {  	s10 =	simm.s32 @!p0 $0x3;
	[sflag:s16] =	ssyncadd.s32 @!p0 $0xFFFFC000;
	(pc) =	sbr.rel @p1 .LBB2_1-.Ltmp1, $4  }
0x57: {  	[hbm4b:s11+s14] =	stream.linear.scatter @!p0 [tilespmem:s15], [sflag:$0x3], $0x4000, $0x38;
	[tilespmem:$0x8100] =	vst v63  }
0x58: {  	_ =	swait.ge @!p0 [sflag:s10], $0x4000  }
0x59: {  	[sflag:s10] =	ssyncset.done @!p0 $0x0  }
0x5a: {  	[sflag:s10] =	ssyncadd.s32 @!p0 $0xFFFFC000  }
0x5b: {  	_ =	sfence.sel $0x180000  }
0x5c: {  	[bflag:$0x0] =	sbarrier.arrive $0xFFFF  }
0x5d: {  	p0 =	sne.s32 s2, $0x0;
	_ =	strace $0x90000047  }
0x5e: {  	s0 =	sadd.s32 @!p0 $0x100000, s0;
	[bflag:$0x2] =	sbarrier.arrive $0xFFFF  }
0x5f: {  	[sflag:s0] =	ssyncadd.tile.s32 @!p0 $0x1;
	_ =	shalt  }
.Lfunc_end2:
_tile_overlayer_lowered:
.L_overlay_start_2:
0x60: {  	(tag) =	ssettag $0x2  }
0x61: {  	s0 =	rddreg [dreg:$0x0];
	s2 =	stileid.u32  }
0x62: {  	s1 =	rddreg [dreg:$0x1];
	p0 =	sne.s32 s2, $0x0  }
0x63: {  	s3 =	rddreg [dreg:$0x2];
	[bflag:$0x3] =	sbarrier.arrive $0xFFFF;
	s2 =	simm.s32 @!p0 $0x1C03  }
0x64: {  	[timem:s3], [sflag:s2] =	dma.local @!p0 [hbm:s0], s1  }
0x65: {  	s0 =	simm.s32 @!p0 $0x3  }
0x66: {  	_ =	swait.ge @!p0 [sflag:s0], s1  }
0x67: {  	s1 =	ssub.s32 @!p0 $0x0, s1;
	[sflag:s0] =	ssyncset.done @!p0 $0x0  }
0x68: {  	[sflag:s0] =	ssyncadd.s32 @!p0 s1  }
0x69: {  	[bflag:$0x3] =	sbarrier.arrive $0xFFFF  }
0x6a: {  	_ =	shalt  }

// kernel: kernel.8.cloned.1.call-start
scs
__scs_entry_jumppad:
0x0: {  	(pc) =	sbr.rel $0x88, $3  }
0x1: {  	(tag) =	ssettag $0x0;
	lr =	simm.s32 $0x1  }
0x2: {  	[smem:$0x3F9A] =	sst lr;
	_ =	strace $0xD0000000  }
0x3: {  	_ = 	snop  }
0x4: {  	_ = 	snop  }
0x5: {  	_ = 	snop  }
0x6: {  	_ = 	snop  }
0x7: {  	_ = 	snop  }
__scs_overlays_trampoline_lowered:
0x8: {  	[smem:$0x3FA9] =	sst s0  }
0x9: {  	[smem:$0x3FAA] =	sst s1  }
0xa: {  	[smem:$0x3FAB] =	sst s2  }
0xb: {  	[smem:$0x3FAC] =	sst s3  }
0xc: {  	[smem:$0x3FAD] =	sst s4  }
0xd: {  	[smem:$0x3FAE] =	sst s5  }
0xe: {  	[smem:$0x3FAF] =	sst s6  }
0xf: {  	[smem:$0x3FB0] =	sst s7  }
0x10: {  	[smem:$0x3FB1] =	sst s8  }
0x11: {  	[smem:$0x3FB2] =	sst s9;
	s0 =	simm.s32 @!p0 $0x0  }
0x12: {  	s1 =	sld [smem:$0x3F98];
	s0 =	simm.s32 @p0 $0x1  }
0x13: {  	[smem:$0x3FB3] =	sst s0;
	s0 =	simm.s32 @!p1 $0x0  }
0x14: {  	s2 =	sld [smem:$0x3F97];
	s0 =	simm.s32 @p1 $0x1  }
0x15: {  	[smem:$0x3FB4] =	sst s0;
	s0 =	simm.s32 @!p2 $0x0  }
0x16: {  	s3 =	sld [smem:$0x3FDB];
	s0 =	simm.s32 @p2 $0x1  }
0x17: {  	s4 =	simm.s32 $0x1BF5;
	[smem:$0x3FB6] =	sst s0  }
0x18: {  	s0 =	sld [smem:$0x3F99];
	_ =	swait.ge [sflag:s4], $0x0  }
0x19: {  	s7 =	sld [smem:$0x3F9A]  }
0x1a: {  	s8 =	sadd.s32 $0xFFFFE003, lr  }
0x1b: {  	s9 =	sadd.s32 $0xFFFFFEF7, lr;
	s5 =	simm.s32 $0xFFFFFFFF;
	p2 =	slt.u32 s8, $0xFFFFF086  }
0x1c: {  	p1 =	slt.u32 s9, $0xF7A;
	s5 =	simm.s32 @!p2 $0x0  }
0x1d: {  	s5 =	simm.s32 @p1 $0x1;
	p0 =	seq.s32 s7, s2  }
0x1e: {  	s7 =	smul.u32 @!p0 $0xF7A, s2;
	p2 =	seq.s32 @!p0 s5, $0x0  }
0x1f: {  	s9 =	smul.u32 $0xF7A, s1;
	s8 =	simm.s32 @!p0 $0x1BF5;
	p2 =	por !p2, p0  }
0x20: {  	[sflag:s8] =	ssyncset.s32 @!p0 $0xFFFFF086;
	s6 =	sadd.s32 @!p0 s3, s7;
	s7 =	simm.s32 @!p0 $0x108  }
0x21: {  	s3 =	sadd.s32 s3, s9;
	s6 =	sadd.s32 @!p0 $0x88, s6;
	s7 =	simm.s32 @p2 $0x1082  }
0x22: {  	[simem:s7], [sflag:s8] =	dma.local @!p0 [hbm:s6], $0xF7A  }
0x23: {  	s9 =	sor.u32 $0xD0000000, s2;
	s6 =	simm.s32 $0x108;
	_ =	swait.ge @!p0 [sflag:s8], $0x0  }
0x24: {  	s3 =	sadd.s32 $0x88, s3;
	s6 =	simm.s32 @!p1 $0x1082;
	[sflag:s4] =	ssyncset.s32 $0xFFFFF086  }
0x25: {  	[simem:s6], [sflag:s4] =	dma.local [hbm:s3], $0xF7A  }
0x26: {  	[smem:$0x3F9A] =	sst s1;
	(tag) =	ssettag s2;
	_ =	strace s9  }
0x27: {  	s1 =	sld [smem:$0x3FAA]  }
0x28: {  	s2 =	sld [smem:$0x3FAB]  }
0x29: {  	s4 =	sld [smem:$0x3FAD]  }
0x2a: {  	p0 =	seq.s32 s5, $0x0;
	s5 =	sld [smem:$0x3FAE]  }
0x2b: {  	s6 =	sld [smem:$0x3FAF]  }
0x2c: {  	s7 =	sld [smem:$0x3FB0]  }
0x2d: {  	s3 =	simm.s32 $0x108;
	s8 =	sld [smem:$0x3FB1]  }
0x2e: {  	s3 =	simm.s32 @!p0 $0x1082;
	s9 =	sld [smem:$0x3FB2]  }
0x2f: {  	lr =	sadd.s32 s0, s3;
	s0 =	sld [smem:$0x3FA9]  }
0x30: {  	s3 =	sld [smem:$0x3FAC]  }
0x31: {  	[smem:$0x3FB5] =	sst s10  }
0x32: {  	s10 =	sld [smem:$0x3FB3];
	_ =	sdelay $0x3  }
0x33: {  	p0 =	seq.s32 s10, $0x1;
	s10 =	sld [smem:$0x3FB5];
	_ =	sdelay $0x3  }
0x34: {  	[smem:$0x3FB5] =	sst s10  }
0x35: {  	s10 =	sld [smem:$0x3FB4];
	_ =	sdelay $0x3  }
0x36: {  	p1 =	seq.s32 s10, $0x1;
	s10 =	sld [smem:$0x3FB5];
	_ =	sdelay $0x3  }
0x37: {  	[smem:$0x3FB5] =	sst s10  }
0x38: {  	s10 =	sld [smem:$0x3FB6]  }
0x39: {  	_ = 	snop;
	(pc) =	sbr.ind lr, $3  }
0x3a: {  	_ = 	snop  }
0x3b: {  	_ = 	snop  }
0x3c: {  	p2 =	seq.s32 s10, $0x1;
	s10 =	sld [smem:$0x3FB5]  }
0x3d: {  	_ =	shalt  }
0x3e: {  	_ =	shalt  }
0x3f: {  	_ =	shalt  }
0x40: {  	_ =	shalt  }
0x41: {  	_ =	shalt  }
0x42: {  	_ =	shalt  }
0x43: {  	_ =	shalt  }
0x44: {  	_ =	shalt  }
0x45: {  	_ =	shalt  }
0x46: {  	_ =	shalt  }
0x47: {  	_ =	shalt  }
0x48: {  	_ =	shalt  }
0x49: {  	_ =	shalt  }
0x4a: {  	_ =	shalt  }
0x4b: {  	_ =	shalt  }
0x4c: {  	_ =	shalt  }
0x4d: {  	_ =	shalt  }
0x4e: {  	_ =	shalt  }
0x4f: {  	_ =	shalt  }
0x50: {  	_ =	shalt  }
0x51: {  	_ =	shalt  }
0x52: {  	_ =	shalt  }
0x53: {  	_ =	shalt  }
0x54: {  	_ =	shalt  }
0x55: {  	_ =	shalt  }
0x56: {  	_ =	shalt  }
0x57: {  	_ =	shalt  }
0x58: {  	_ =	shalt  }
0x59: {  	_ =	shalt  }
0x5a: {  	_ =	shalt  }
0x5b: {  	_ =	shalt  }
0x5c: {  	_ =	shalt  }
0x5d: {  	_ =	shalt  }
0x5e: {  	_ =	shalt  }
0x5f: {  	_ =	shalt  }
0x60: {  	_ =	shalt  }
0x61: {  	_ =	shalt  }
0x62: {  	_ =	shalt  }
0x63: {  	_ =	shalt  }
0x64: {  	_ =	shalt  }
0x65: {  	_ =	shalt  }
0x66: {  	_ =	shalt  }
0x67: {  	_ =	shalt  }
0x68: {  	_ =	shalt  }
0x69: {  	_ =	shalt  }
0x6a: {  	_ =	shalt  }
0x6b: {  	_ =	shalt  }
0x6c: {  	_ =	shalt  }
0x6d: {  	_ =	shalt  }
0x6e: {  	_ =	shalt  }
0x6f: {  	_ =	shalt  }
0x70: {  	_ =	shalt  }
0x71: {  	_ =	shalt  }
0x72: {  	_ =	shalt  }
0x73: {  	_ =	shalt  }
0x74: {  	_ =	shalt  }
0x75: {  	_ =	shalt  }
0x76: {  	_ =	shalt  }
0x77: {  	_ =	shalt  }
0x78: {  	_ =	shalt  }
0x79: {  	_ =	shalt  }
0x7a: {  	_ =	shalt  }
0x7b: {  	_ =	shalt  }
0x7c: {  	_ =	shalt  }
0x7d: {  	_ =	shalt  }
0x7e: {  	_ =	shalt  }
0x7f: {  	_ =	shalt  }
0x80: {  	_ =	shalt  }
0x81: {  	_ =	shalt  }
0x82: {  	_ =	shalt  }
0x83: {  	_ =	shalt  }
0x84: {  	_ =	shalt  }
0x85: {  	_ =	shalt  }
0x86: {  	_ =	shalt  }
0x87: {  	_ =	shalt  }
.Lfunc_end0:
.L_simem_size_0:
called_computation.1_lowered:
.L_overlay_start_0:
0x88: {  	s2 =	sld [smem:$0x3FD9]  }
0x89: {  	s3 =	sld [smem:$0x3FFE];
	_ =	sdelay $0x1  }
0x8a: {  	s1 =	srdreg.scid  }
0x8b: {  	s0 =	sand.u32 $0x1, s1  }
0x8c: {  	s16 =	sshll.u32 s0, $0xA;
	s2 =	sadd.s32 s3, s2  }
0x8d: {  	s2 =	sadd.s32 s2, s16  }
0x8e: {  	[smem:$0x3FC1] =	sst s2  }
0x8f: {  	_ = 	snop  }
0x90: {  	(tm) =	ssettm $0x1  }
0x91: {  	s17 =	sld [smem:$0x3FFB];
	_ =	sdelay $0x3  }
0x92: {  	_ =	strace s17  }
0x93: {  	s2 =	sld [smem:$0x3FFC];
	_ =	sdelay $0x3  }
0x94: {  	_ =	strace s2  }
0x95: {  	s2 =	sld [smem:$0x3FFD];
	_ =	sdelay $0x3  }
0x96: {  	_ =	strace s2  }
0x97: {  	_ =	strace $0x8FFFFFFF  }
0x98: {  	s18 =	sld [smem:$0x3FDB];
	_ =	sdelay $0x1  }
0x99: {  	s19 =	simm.s32 $_scs_section_size  }
0x9a: {  	s4 =	simm.s32 $_size__tile_overlayer_lowered;
	s5 =	simm.s32 $_tile_overlayer_lowered  }
0x9b: {  	s22 =	simm.s32 $0x1BFF;
	s21 =	sshll.u32 s5, $0x1;
	s2 =	sadd.s32 s19, s18  }
0x9c: {  	s6 =	simm.s32 $0x0;
	s20 =	sshll.u32 s4, $0x1;
	s4 =	sadd.s32 s21, s2  }
0x9d: {  	[timem:s6], [sflag:s22] =	dma.local [hbm:s4], s20  }
0x9e: {  	_ =	swait.ge [sflag:s22], s20  }
0x9f: {  	s3 =	ssub.s32 $0x0, s20;
	[sflag:s22] =	ssyncset.done $0x0  }
0xa0: {  	[sflag:s22] =	ssyncadd.s32 s3;
	_ =	sdelay $0x1  }
0xa1: {  	s23 =	simm.s32 $0x1B8B  }
0xa2: {  	_ =	swait.ge [sflag:s23], $0x1  }
0xa3: {  	[sflag:s23] =	ssyncset.done $0x0  }
0xa4: {  	s25 =	simm.s32 $0x1B8E;
	s24 =	sld [smem:$0x3FFE];
	[sflag:s23] =	ssyncadd.s32 $0xFFFFFFFF  }
0xa5: {  	s26 =	simm.s32 $execute0_lowered;
	[smem:$0x3FD2] =	sst s25  }
0xa6: {  	s4 =	sshll.u32 s26, $0x1;
	_ =	strace $0x80000049;
	[dreg:$0x1] =	wrdreg $0xFFFFFFFF  }
0xa7: {  	s28 =	simm.s32 $_size_execute0_lowered;
	s2 =	sadd.s32 s2, s4;
	[dreg:$0x0] =	wrdreg $0x0  }
0xa8: {  	s4 =	sshll.u32 s28, $0x1;
	[dreg:$0x2] =	wrdreg s2  }
0xa9: {  	[dreg:$0x3] =	wrdreg s4  }
0xaa: {  	[dreg:$0x4] =	wrdreg $0xC0  }
0xab: {  	_ =	task [dreg:s6], $0x5FFFF  }
0xac: {  	[dreg:$0x1] =	wrdreg $0xFFFFFFFF  }
0xad: {  	[dreg:$0x0] =	wrdreg $0x60  }
0xae: {  	[dreg:$0x2] =	wrdreg s24  }
0xaf: {  	[dreg:$0x3] =	wrdreg $0x11C000  }
0xb0: {  	[dreg:$0x4] =	wrdreg $0x1BC000  }
0xb1: {  	[dreg:$0x5] =	wrdreg $0x1C1000  }
0xb2: {  	[dreg:$0x6] =	wrdreg $0x9  }
0xb3: {  	_ =	task.clear_ibuf [dreg:s6], $0x7FFFF;
	_ =	strace $0x90000049  }
0xb4: {  	s29 =	simm.s32 $0x9;
	_ =	strace $0x8000004B  }
0xb5: {  	_ =	swait.ge [sflag:s29], $0x1  }
0xb6: {  	[sflag:s29] =	ssyncadd.s32 $0xFFFFFFFF  }
0xb7: {  	_ =	strace $0x9000004B  }
0xb8: {  	_ =	sfence  }
0xb9: {  	s30 =	sld [smem:$0x0];
	_ =	sdelay $0x2  }
0xba: {  	s31 =	sshll.u32 s1, $0xD;
	s1 =	sshrl.u32 s1, $0x2  }
0xbb: {  	s3 =	sand.u32 $0x4000, s31;
	s1 =	sadd.s32 s1, s30  }
0xbc: {  	s0 =	sor.u32 s3, s0;
	s1 =	sshll.u32 s1, $0x11  }
0xbd: {  	s0 =	sor.u32 s1, s0  }
0xbe: {  	s0 =	sadd.s32 $0x8F2B, s0  }
0xbf: {  	[sflag:s0] =	ssyncadd.remote.s32 $0x1  }
0xc0: {  	_ =	sfence.sel $0xFFFF  }
0xc1: {  	[dreg:$0x0] =	wrdreg $0xFFFFFFFF;
	(pc) =	sbr.abs _section_cstart, $3  }
0xc2: {  	[dreg:$0x1] =	wrdreg $0xFFFFFFFF  }
0xc3: {  	_ =	task.clear_ibuf [dreg:s6], $0x2FFFF;
	_ =	strace $0x9FFFFFFF  }
0xc4: {  	(tm) =	ssettm $0x7FFFFFFF  }
0xc5: {  	_ =	shalt  }
tec
execute0_lowered:
.L_overlay_start_1:
0x0: {  	(tag) =	ssettag $0x1  }
0x1: {  	s8 =	rddreg [dreg:$0x0]  }
0x2: {  	s12 =	rddreg [dreg:$0x1]  }
0x3: {  	s0 =	rddreg [dreg:$0x2]  }
0x4: {  	s2 =	rddreg [dreg:$0x3];
	s3 =	simm.s32 $0x0  }
0x5: {  	s7 =	srdreg.scid;
	s4 =	stileid.u32;
	s17 =	simm.s32 $0xF100  }
0x6: {  	s18 =	simm.s32 $0xFB00;
	s19 =	simm.s32 $0x2;
	s20 =	simm.s32 $0x10880  }
0x7: {  	s21 =	simm.s32 $0x10F00;
	s22 =	simm.s32 $0x5080;
	s23 =	simm.s32 $0x11580  }
0x8: {  	s24 =	simm.s32 $0x0;
	[smem:$0x7FF] =	sst s3;
	s5 =	sadd.s32 $0x2200, s8  }
0x9: {  	s6 =	sadd.s32 $0x7200, s8;
	s15 =	sand.u32 $0x1, s7;
	s9 =	smul.u32 $0x28000, s4  }
0xa: {  	s7 =	sadd.s32 $0x1AE00, s8;
	s11 =	smul.u32 $0x1400, s4;
	s8 =	sadd.s32 $0x11000, s8  }
0xb: {  	s14 =	smul.u32 $0x2800, s4;
	_ =	strace $0x8000004A;
	s10 =	ssub.s32 $0x2, s15  }
.Ltmp0:
0xc: {  	p0 =	sne.s32 s15, $0x0;
	s15 =	simm.s32 $0x10500;
	(pc) =	sbr.rel .LBB2_1-.Ltmp0, $4  }
0xd: {  	s13 =	sshrl.u32 s10, $0x1;
	s9 =	sshrl.u32 s9, $0x2;
	s11 =	sshrl.u32 s11, $0x2  }
0xe: {  	s31 =	sshrl.u32 s14, $0x2;
	s16 =	ssub.s32 s10, s13;
	s9 =	sadd.s32 s9, s12  }
0xf: {  	v0 =	vimm.f32 $0.0e+00;
	vm1 =	vcmask $0xB08;
	s10 =	sadd.s32 s11, s12;
	s11 =	sadd.s32 s11, s0;
	s12 =	sadd.s32 s31, s12  }
0x10: {  	v1 =	vimm.f32 $-3.000000010e+38;
	vm0 =	vmmov $0x3;
	v2 =	vsel vm1, $0x3F800000, v0;
	s13 =	sadd.s32 s31, s2;
	s14 =	smax.u32 s16, $0x1;
	s16 =	simm.s32 $0x1  }
.LBB2_37:
0x11: {  	[bflag:$0x0] =	sbarrier.arrive $0xFFFF  }
0x12: {  	[bflag:$0x0] =	sbarrier.arrive $0xFFFF  }
0x13: {  	[bflag:$0x0] =	sbarrier.arrive $0xFFFF  }
0x14: {  	[bflag:$0x0] =	sbarrier.arrive $0xFFFF  }
.LBB2_35:
0x15: {  	s24 =	sadd.s32 $0x1, s24  }
0x16: {  	p1 =	sne.s32 s24, s14  }
.Ltmp1:
0x17: {  	_ = 	snop;
	(pc) =	sbr.rel @!p1 .LBB2_36-.Ltmp1, $1  }
0x18: {  	_ =	sdelay $0x3  }
.LBB2_1:
.Ltmp2:
0x19: {  	(pc) =	sbr.rel @p0 .LBB2_37-.Ltmp2, $2  }
0x1a: {  	_ =	sdelay $0x2  }
0x1b: {  	s25 =	simm.s32 $0x0  }
.LBB2_2:
0x1c: {  	p1 =	sne.s32 s25, $0x14000  }
.Ltmp3:
0x1d: {  	_ = 	snop;
	(pc) =	sbr.rel @p1 .LBB2_2-.Ltmp3, $3  }
0x1e: {  	_ =	sdelay $0x1  }
0x1f: {  	s26 =	sshra.s32 s25, $0x2  }
0x20: {  	s25 =	sadd.s32 $0x40, s25;
	[tilespmem:s26+$0x0] =	vst v1  }
.Ltmp4:
0x21: {  	(pc) =	sbr.rel .LBB2_4-.Ltmp4, $2  }
0x22: {  	_ =	sdelay $0x2  }
0x23: {  	s25 =	simm.s32 $0x0  }
.LBB2_8:
0x24: {  	s25 =	sadd.s32 $0x1, s25  }
0x25: {  	p1 =	sne.s32 s25, $0xD  }
.Ltmp5:
0x26: {  	_ = 	snop;
	(pc) =	sbr.rel @!p1 .LBB2_9-.Ltmp5, $1  }
0x27: {  	_ =	sdelay $0x3  }
.LBB2_4:
0x28: {  	s26 =	sshll.u32 s25, $0x4  }
0x29: {  	s26 =	sor.u32 s4, s26  }
0x2a: {  	p1 =	sgt.u32 s26, $0xC7  }
.Ltmp6:
0x2b: {  	_ = 	snop;
	(pc) =	sbr.rel @p1 .LBB2_8-.Ltmp6, $1  }
0x2c: {  	_ =	sdelay $0x3  }
0x2d: {  	s28 =	smul.u32 $0x64, s26;
	_ =	sdelay $0x1  }
0x2e: {  	s29 =	simm.s32 $0x0;
	s28 =	sadd.s32 s5, s28  }
0x2f: {  	[tilespmem:s15], [sflag:$0x1] =	stream.linear.gather [hbm4b:s28+s29], $0x320, $0x38;
	[tilespmem:$0x1CB00] =	vst v63  }
0x30: {  	s31 =	smul.u32 $0xC8, s26;
	_ =	swait.ge [sflag:s16], $0x320  }
0x31: {  	[sflag:s16] =	ssyncset.done $0x0  }
0x32: {  	s26 =	simm.s32 $0x10880;
	s28 =	sadd.s32 s6, s31;
	[sflag:s16] =	ssyncadd.s32 $0xFFFFFCE0  }
0x33: {  	[tilespmem:s26], [sflag:$0x1] =	stream.linear.gather [hbm4b:s28+s29], $0x640, $0x38;
	[tilespmem:$0x1CB00] =	vst v63  }
0x34: {  	_ =	swait.ge [sflag:s16], $0x640  }
0x35: {  	[sflag:s16] =	ssyncset.done $0x0  }
0x36: {  	s28 =	simm.s32 $0x0;
	[sflag:s16] =	ssyncadd.s32 $0xFFFFF9C0  }
0x37: {  	v3 =	vld [tilespmem:s28+$0x10500];
	_ =	sdelay $0x4  }
0x38: {  	(v2sf) =	vpush v3, $0x0;
	_ =	sdelay $0xe  }
0x39: {  	s28 =	spop (v2sf)  }
0x3a: {  	s28 =	sshll.u32 s28, $0x3  }
0x3b: {  	v3 =	vld [tilespmem:s26+$0x0];
	s30 =	sshra.s32 s28, $0x2  }
0x3c: {  	v4 =	vld [tilespmem:s30+$0x0];
	_ =	sdelay $0x3  }
0x3d: {  	v3 =	vnsel vm0, $0xFF61B1E6, v3  }
0x3e: {  	v3 =	vmax.f32 v4, v3  }
0x3f: {  	s29 =	simm.s32 $0x1;
	s28 =	simm.s32 $0x8;
	[tilespmem:s30+$0x0] =	vst v3  }
.LBB2_6:
0x40: {  	p1 =	sne.s32 s28, $0xC7C;
	v3 =	vld [tilespmem:s29+$0x10500];
	_ =	sdelay $0x4  }
0x41: {  	(v2sf) =	vpush v3, $0x0;
	_ =	sdelay $0xe  }
0x42: {  	s29 =	spop (v2sf)  }
0x43: {  	s26 =	sadd.s32 $0x2, s26;
	s29 =	sshll.u32 s29, $0x3  }
0x44: {  	v3 =	vld [tilespmem:s26+$0x0];
	s30 =	sshra.s32 s29, $0x2  }
0x45: {  	v4 =	vld [tilespmem:s30+$0x0];
	_ =	sdelay $0x1  }
.Ltmp7:
0x46: {  	(pc) =	sbr.rel @p1 .LBB2_6-.Ltmp7, $4  }
0x47: {  	_ = 	snop  }
0x48: {  	v3 =	vnsel vm0, $0xFF61B1E6, v3  }
0x49: {  	v3 =	vmax.f32 v4, v3  }
0x4a: {  	s29 =	sshra.s32 s28, $0x2;
	s28 =	sadd.s32 $0x4, s28;
	[tilespmem:s30+$0x0] =	vst v3  }
0x4b: {  	v3 =	vld [tilespmem:s29+$0x10500];
	_ =	sdelay $0x4  }
0x4c: {  	(v2sf) =	vpush v3, $0x0;
	_ =	sdelay $0xe  }
0x4d: {  	s28 =	spop (v2sf)  }
0x4e: {  	s26 =	sadd.s32 $0x2, s26;
	s28 =	sshll.u32 s28, $0x3  }
0x4f: {  	v3 =	vld [tilespmem:s26+$0x0];
	s31 =	sshra.s32 s28, $0x2  }
0x50: {  	v4 =	vld [tilespmem:s31+$0x0];
	_ =	sdelay $0x1  }
.Ltmp8:
0x51: {  	_ = 	snop;
	(pc) =	sbr.rel .LBB2_8-.Ltmp8, $4  }
0x52: {  	_ = 	snop  }
0x53: {  	v3 =	vnsel vm0, $0xFF61B1E6, v3  }
0x54: {  	v3 =	vmax.f32 v4, v3  }
0x55: {  	[tilespmem:s31+$0x0] =	vst v3  }
.LBB2_9:
0x56: {  	s25 =	simm.s32 $0x0  }
0x57: {  	[spmem:s9] =	stream.linear.scatter [tilespmem:s25], [sflag:$0x1], $0x5000, $0x38;
	[tilespmem:$0x1CB00] =	vst v63  }
0x58: {  	_ =	swait.ge [sflag:s16], $0x5000  }
0x59: {  	[sflag:s16] =	ssyncset.done $0x0  }
0x5a: {  	[sflag:s16] =	ssyncadd.s32 $0xFFFFB000  }
0x5b: {  	s26 =	simm.s32 $0x40;
	s28 =	simm.s32 $0x0;
	[bflag:$0x0] =	sbarrier.arrive $0xFFFF  }
.LBB2_10:
0x5c: {  	p1 =	sne.s32 s26, $0x13C0;
	[tilespmem:s28+$0xFB00] =	vst v1;
	s28 =	smov.u32 s26;
	s26 =	sadd.s32 $0x40, s26  }
.Ltmp9:
0x5d: {  	(pc) =	sbr.rel @p1 .LBB2_10-.Ltmp9, $2  }
0x5e: {  	_ =	sdelay $0x2  }
0x5f: {  	s28 =	sshra.s32 s28, $0x2  }
0x60: {  	[tilespmem:s28+$0xFB00] =	vst v1  }
.LBB2_12:
0x61: {  	s26 =	smul.u32 $0x28000, s25;
	_ =	sdelay $0x1  }
0x62: {  	s26 =	sshra.s32 s26, $0x2  }
0x63: {  	s26 =	sadd.s32 s26, s10  }
0x64: {  	[tilespmem:s17], [sflag:$0x1] =	stream.linear.gather [spmem:s26], $0x500, $0x38;
	[tilespmem:$0x1CB00] =	vst v63  }
0x65: {  	_ =	swait.ge [sflag:s16], $0x500  }
0x66: {  	[sflag:s16] =	ssyncset.done $0x0  }
0x67: {  	s26 =	simm.s32 $0x0;
	[sflag:s16] =	ssyncadd.s32 $0xFFFFFB00  }
0x68: {  	s28 =	simm.s32 $0x40;
	v3 =	vld [tilespmem:s26+$0xF100]  }
.LBB2_13:
0x69: {  	p1 =	sne.s32 s28, $0x13C0;
	v4 =	vld [tilespmem:s26+$0xFB00];
	_ =	sdelay $0x1  }
.Ltmp10:
0x6a: {  	(pc) =	sbr.rel @p1 .LBB2_13-.Ltmp10, $3  }
0x6b: {  	_ =	sdelay $0x1  }
0x6c: {  	s29 =	sshra.s32 s28, $0x2;
	v4 =	vmax.f32 v4, v3  }
0x6d: {  	s28 =	sadd.s32 $0x40, s28;
	v3 =	vld [tilespmem:s29+$0xF100];
	[tilespmem:s26+$0xFB00] =	vst v4;
	s26 =	smov.u32 s29  }
0x6e: {  	v4 =	vld [tilespmem:s26+$0xFB00];
	s25 =	sadd.s32 $0x1, s25  }
0x6f: {  	p1 =	seq.s32 s25, $0x10  }
.Ltmp11:
0x70: {  	_ = 	snop;
	(pc) =	sbr.rel @!p1 .LBB2_12-.Ltmp11, $3  }
0x71: {  	_ =	sdelay $0x1  }
0x72: {  	v3 =	vmax.f32 v4, v3  }
0x73: {  	[tilespmem:s26+$0xFB00] =	vst v3  }
0x74: {  	[spmem:s11] =	stream.linear.scatter [tilespmem:s18], [sflag:$0x1], $0x500, $0x38;
	[tilespmem:$0x1CB00] =	vst v63  }
0x75: {  	_ =	swait.ge [sflag:s16], $0x500  }
0x76: {  	[sflag:s16] =	ssyncset.done $0x0  }
0x77: {  	[sflag:s16] =	ssyncadd.s32 $0xFFFFFB00  }
0x78: {  	[bflag:$0x0] =	sbarrier.arrive $0xFFFF  }
0x79: {  	s25 =	simm.s32 $0x0;
	s0 =	rddreg [dreg:$0x2]  }
0x7a: {  	[tilespmem:s25], [sflag:$0x1] =	stream.linear.gather [spmem:s0], $0x5000, $0x38;
	[tilespmem:$0x1CB00] =	vst v63  }
0x7b: {  	_ =	swait.ge [sflag:s16], $0x5000  }
0x7c: {  	[sflag:s16] =	ssyncset.done $0x0  }
0x7d: {  	s26 =	simm.s32 $0x40;
	s28 =	simm.s32 $0x0;
	[sflag:s16] =	ssyncadd.s32 $0xFFFFB000  }
.LBB2_16:
0x7e: {  	p1 =	sne.s32 s26, $0x28000;
	[tilespmem:s28+$0x5080] =	vst v0;
	s28 =	smov.u32 s26;
	s26 =	sadd.s32 $0x40, s26  }
.Ltmp12:
0x7f: {  	(pc) =	sbr.rel @p1 .LBB2_16-.Ltmp12, $2  }
0x80: {  	_ =	sdelay $0x2  }
0x81: {  	s28 =	sshra.s32 s28, $0x2  }
.Ltmp13:
0x82: {  	(pc) =	sbr.rel .LBB2_18-.Ltmp13, $2  }
0x83: {  	_ =	sdelay $0x2  }
0x84: {  	[tilespmem:s28+$0x5080] =	vst v0  }
.LBB2_22:
0x85: {  	s25 =	sadd.s32 $0x1, s25  }
0x86: {  	p1 =	sne.s32 s25, $0xD  }
.Ltmp14:
0x87: {  	_ = 	snop;
	(pc) =	sbr.rel @!p1 .LBB2_23-.Ltmp14, $1  }
0x88: {  	_ =	sdelay $0x3  }
.LBB2_18:
0x89: {  	s26 =	sshll.u32 s25, $0x4  }
0x8a: {  	s26 =	sor.u32 s4, s26  }
0x8b: {  	p1 =	sgt.u32 s26, $0xC7  }
.Ltmp15:
0x8c: {  	_ = 	snop;
	(pc) =	sbr.rel @p1 .LBB2_22-.Ltmp15, $1  }
0x8d: {  	_ =	sdelay $0x3  }
0x8e: {  	s28 =	smul.u32 $0x64, s26;
	_ =	sdelay $0x1  }
0x8f: {  	s29 =	simm.s32 $0x10500;
	s30 =	sadd.s32 s5, s28;
	s28 =	simm.s32 $0x0  }
0x90: {  	[tilespmem:s29], [sflag:$0x2] =	stream.linear.gather [hbm4b:s30+s28], $0x320, $0x38;
	[tilespmem:$0x1CB00] =	vst v63  }
0x91: {  	s26 =	smul.u32 $0xC8, s26;
	_ =	swait.ge [sflag:s19], $0x320  }
0x92: {  	[sflag:s19] =	ssyncset.done $0x0  }
0x93: {  	s30 =	sadd.s32 s6, s26;
	[sflag:s19] =	ssyncadd.s32 $0xFFFFFCE0  }
0x94: {  	[tilespmem:s20], [sflag:$0x2] =	stream.linear.gather [hbm4b:s30+s28], $0x640, $0x38;
	[tilespmem:$0x1CB00] =	vst v63  }
0x95: {  	_ =	swait.ge [sflag:s19], $0x640  }
0x96: {  	[sflag:s19] =	ssyncset.done $0x0  }
0x97: {  	[sflag:s19] =	ssyncadd.s32 $0xFFFFF9C0  }
0x98: {  	s30 =	simm.s32 $0x8;
	v3 =	vld [tilespmem:s29+$0x0]  }
.LBB2_20:
0x99: {  	p1 =	sne.s32 s30, $0x18F8;
	_ =	sdelay $0x3  }
0x9a: {  	(v2sf) =	vpush v3, $0x0;
	_ =	sdelay $0xe  }
0x9b: {  	s31 =	spop (v2sf)  }
0x9c: {  	s0 =	sshra.s32 s28, $0x2;
	s28 =	smov.u32 s30;
	s1 =	sshll.u32 s31, $0x3  }
0x9d: {  	v3 =	vld [tilespmem:s0+$0x10880];
	s1 =	sshra.s32 s1, $0x2  }
0x9e: {  	v4 =	vld [tilespmem:s1+$0x0];
	_ =	sdelay $0x4  }
0x9f: {  	v3 =	vsub.f32 v3, v4;
	_ =	sdelay $0x1  }
0xa0: {  	v3 =	vnsel vm0, $0x0, v3  }
0xa1: {  	v3 =	vmul.f32 $1.442695020e+00, v3;
	_ =	sdelay $0x1  }
0xa2: {  	(erf) = vpow2.f32 v3;
	_ =	sdelay $0x4  }
0xa3: {  	v3 =	vld [tilespmem:s0+$0x10F00];
	_ =	sdelay $0x3  }
0xa4: {  	v4 =	vpop (erf)  }
0xa5: {  	s1 =	sshll.u32 s31, $0x4;
	v3 =	vsel vm0, v4, v3  }
0xa6: {  	[tilespmem:s0+$0x10F00] =	vst v3;
	s0 =	sshra.s32 s1, $0x2  }
0xa7: {  	v3 =	vld [tilespmem:s0+$0x5080];
	_ =	sdelay $0x1  }
0xa8: {  	v4 =	vnsel vm0, $0x0, v4  }
0xa9: {  	v4 =	vadd.f32 v2, v4  }
.Ltmp16:
0xaa: {  	(pc) =	sbr.rel @p1 .LBB2_20-.Ltmp16, $3  }
0xab: {  	v3 =	vadd.f32 v4, v3;
	_ =	sdelay $0x1  }
0xac: {  	s29 =	sadd.s32 $0x1, s29;
	[tilespmem:s0+$0x5080] =	vst v3  }
0xad: {  	s30 =	sadd.s32 $0x8, s30;
	v3 =	vld [tilespmem:s29+$0x0]  }
0xae: {  	_ =	sdelay $0x3  }
0xaf: {  	(v2sf) =	vpush v3, $0x0;
	_ =	sdelay $0xe  }
0xb0: {  	s0 =	spop (v2sf)  }
0xb1: {  	s1 =	sshra.s32 s28, $0x2;
	s30 =	sshll.u32 s0, $0x3  }
0xb2: {  	v3 =	vld [tilespmem:s1+$0x10880];
	s28 =	sshra.s32 s30, $0x2  }
0xb3: {  	v4 =	vld [tilespmem:s28+$0x0];
	_ =	sdelay $0x4  }
0xb4: {  	v3 =	vsub.f32 v3, v4;
	_ =	sdelay $0x1  }
0xb5: {  	v3 =	vnsel vm0, $0x0, v3  }
0xb6: {  	v3 =	vmul.f32 $1.442695020e+00, v3;
	_ =	sdelay $0x1  }
0xb7: {  	(erf) = vpow2.f32 v3;
	_ =	sdelay $0x4  }
0xb8: {  	v3 =	vld [tilespmem:s1+$0x10F00];
	_ =	sdelay $0x3  }
0xb9: {  	v63 =	vpop (erf)  }
0xba: {  	s0 =	sshll.u32 s0, $0x4;
	v3 =	vsel vm0, v63, v3  }
0xbb: {  	s0 =	sshra.s32 s0, $0x2;
	[tilespmem:s1+$0x10F00] =	vst v3  }
0xbc: {  	v3 =	vld [tilespmem:s0+$0x5080];
	_ =	sdelay $0x1  }
0xbd: {  	v4 =	vnsel vm0, $0x0, v63  }
0xbe: {  	v4 =	vadd.f32 v2, v4;
	_ =	sdelay $0x1  }
0xbf: {  	v3 =	vadd.f32 v4, v3;
	_ =	sdelay $0x1  }
.Ltmp17:
0xc0: {  	s31 =	sadd.s32 s8, s26;
	[tilespmem:s0+$0x5080] =	vst v3;
	(pc) =	sbr.rel .LBB2_22-.Ltmp17, $4  }
0xc1: {  	[hbm4b:s31+s3] =	stream.linear.scatter [tilespmem:s21], [sflag:$0x1], $0x640, $0x38;
	[tilespmem:$0x1CB00] =	vst v63  }
0xc2: {  	_ =	swait.ge [sflag:s16], $0x640  }
0xc3: {  	[sflag:s16] =	ssyncset.done $0x0  }
0xc4: {  	[sflag:s16] =	ssyncadd.s32 $0xFFFFF9C0  }
.LBB2_23:
0xc5: {  	[spmem:s9] =	stream.linear.scatter [tilespmem:s22], [sflag:$0x1], $0xA000, $0x38;
	[tilespmem:$0x1CB00] =	vst v63  }
0xc6: {  	_ =	swait.ge [sflag:s16], $0xA000  }
0xc7: {  	[sflag:s16] =	ssyncset.done $0x0  }
0xc8: {  	s25 =	simm.s32 $0x0;
	[sflag:s16] =	ssyncadd.s32 $0xFFFF6000  }
0xc9: {  	s26 =	simm.s32 $0x40;
	s28 =	simm.s32 $0x0;
	[bflag:$0x0] =	sbarrier.arrive $0xFFFF  }
.LBB2_24:
0xca: {  	p1 =	sne.s32 s26, $0x27C0;
	[tilespmem:s28+$0xFB00] =	vst v0;
	s0 =	smov.u32 s26;
	s26 =	sadd.s32 $0x40, s26  }
.Ltmp18:
0xcb: {  	(pc) =	sbr.rel @p1 .LBB2_24-.Ltmp18, $2  }
0xcc: {  	_ =	sdelay $0x2  }
0xcd: {  	s28 =	sshra.s32 s0, $0x2  }
0xce: {  	[tilespmem:s28+$0xFB00] =	vst v0  }
.LBB2_26:
0xcf: {  	s0 =	smul.u32 $0x28000, s25;
	_ =	sdelay $0x1  }
0xd0: {  	s0 =	sshra.s32 s0, $0x2  }
0xd1: {  	s0 =	sadd.s32 s0, s12  }
0xd2: {  	[tilespmem:s17], [sflag:$0x1] =	stream.linear.gather [spmem:s0], $0xA00, $0x38;
	[tilespmem:$0x1CB00] =	vst v63  }
0xd3: {  	_ =	swait.ge [sflag:s16], $0xA00  }
0xd4: {  	[sflag:s16] =	ssyncset.done $0x0  }
0xd5: {  	s26 =	simm.s32 $0x0;
	[sflag:s16] =	ssyncadd.s32 $0xFFFFF600  }
0xd6: {  	s28 =	simm.s32 $0x40;
	v3 =	vld [tilespmem:s26+$0xF100]  }
.LBB2_27:
0xd7: {  	p1 =	sne.s32 s28, $0x27C0;
	v4 =	vld [tilespmem:s26+$0xFB00];
	_ =	sdelay $0x2  }
.Ltmp19:
0xd8: {  	(pc) =	sbr.rel @p1 .LBB2_27-.Ltmp19, $4  }
0xd9: {  	_ = 	snop  }
0xda: {  	v4 =	vadd.f32 v3, v4  }
0xdb: {  	s0 =	sshra.s32 s28, $0x2  }
0xdc: {  	s28 =	sadd.s32 $0x40, s28;
	v3 =	vld [tilespmem:s0+$0xF100];
	[tilespmem:s26+$0xFB00] =	vst v4;
	s26 =	smov.u32 s0  }
0xdd: {  	v4 =	vld [tilespmem:s26+$0xFB00]  }
0xde: {  	s25 =	sadd.s32 $0x1, s25  }
0xdf: {  	p1 =	sne.s32 s25, $0x10  }
.Ltmp20:
0xe0: {  	_ = 	snop;
	(pc) =	sbr.rel @p1 .LBB2_26-.Ltmp20, $3  }
0xe1: {  	_ = 	snop  }
0xe2: {  	v3 =	vadd.f32 v3, v4;
	_ =	sdelay $0x1  }
0xe3: {  	[tilespmem:s26+$0xFB00] =	vst v3  }
0xe4: {  	[spmem:s13] =	stream.linear.scatter [tilespmem:s18], [sflag:$0x1], $0xA00, $0x38;
	[tilespmem:$0x1CB00] =	vst v63  }
0xe5: {  	_ =	swait.ge [sflag:s16], $0xA00  }
0xe6: {  	[sflag:s16] =	ssyncset.done $0x0  }
0xe7: {  	[sflag:s16] =	ssyncadd.s32 $0xFFFFF600  }
.Ltmp21:
0xe8: {  	[bflag:$0x0] =	sbarrier.arrive $0xFFFF;
	(pc) =	sbr.rel .LBB2_30-.Ltmp21, $4  }
0xe9: {  	[tilespmem:s22], [sflag:$0x1] =	stream.linear.gather [spmem:s2], $0xA000, $0x38;
	[tilespmem:$0x1CB00] =	vst v63  }
0xea: {  	_ =	swait.ge [sflag:s16], $0xA000  }
0xeb: {  	[sflag:s16] =	ssyncset.done $0x0  }
0xec: {  	s25 =	simm.s32 $0x0;
	[sflag:s16] =	ssyncadd.s32 $0xFFFF6000  }
.LBB2_34:
0xed: {  	s25 =	sadd.s32 $0x1, s25  }
0xee: {  	p1 =	sne.s32 s25, $0xD  }
.Ltmp22:
0xef: {  	_ = 	snop;
	(pc) =	sbr.rel @!p1 .LBB2_35-.Ltmp22, $1  }
0xf0: {  	_ =	sdelay $0x3  }
.LBB2_30:
0xf1: {  	s0 =	sshll.u32 s25, $0x4  }
0xf2: {  	s26 =	sor.u32 s4, s0  }
0xf3: {  	p1 =	sgt.u32 s26, $0xC7  }
.Ltmp23:
0xf4: {  	_ = 	snop;
	(pc) =	sbr.rel @p1 .LBB2_34-.Ltmp23, $1  }
0xf5: {  	_ =	sdelay $0x3  }
0xf6: {  	s0 =	smul.u32 $0x64, s26;
	_ =	sdelay $0x1  }
0xf7: {  	s28 =	simm.s32 $0x0;
	s29 =	simm.s32 $0x10500;
	s0 =	sadd.s32 s5, s0  }
0xf8: {  	[tilespmem:s29], [sflag:$0x2] =	stream.linear.gather [hbm4b:s0+s28], $0x320, $0x38;
	[tilespmem:$0x1CB00] =	vst v63  }
0xf9: {  	s26 =	smul.u32 $0xC8, s26;
	_ =	swait.ge [sflag:s19], $0x320  }
0xfa: {  	[sflag:s19] =	ssyncset.done $0x0  }
0xfb: {  	s31 =	sadd.s32 s8, s26;
	[sflag:s19] =	ssyncadd.s32 $0xFFFFFCE0  }
0xfc: {  	[tilespmem:s21], [sflag:$0x2] =	stream.linear.gather [hbm4b:s31+s28], $0x640, $0x38;
	[tilespmem:$0x1CB00] =	vst v63  }
0xfd: {  	_ =	swait.ge [sflag:s19], $0x640  }
0xfe: {  	[sflag:s19] =	ssyncset.done $0x0  }
0xff: {  	[sflag:s19] =	ssyncadd.s32 $0xFFFFF9C0  }
0x100: {  	s30 =	simm.s32 $0x8;
	v3 =	vld [tilespmem:s29+$0x0]  }
.LBB2_32:
0x101: {  	p1 =	sne.s32 s30, $0x18F8;
	_ =	sdelay $0x3  }
0x102: {  	(v2sf) =	vpush v3, $0x0;
	_ =	sdelay $0xe  }
0x103: {  	s0 =	spop (v2sf)  }
0x104: {  	s0 =	sshll.u32 s0, $0x4  }
0x105: {  	s0 =	sshra.s32 s0, $0x2  }
0x106: {  	v3 =	vld [tilespmem:s0+$0x5080];
	_ =	sdelay $0x4  }
0x107: {  	v4 =	vadd.f32 $1.000000020e-16, v3;
	_ =	sdelay $0x1  }
0x108: {  	(erf) = vrcp.f32 v4;
	_ =	sdelay $0x1  }
0x109: {  	s0 =	sshra.s32 s28, $0x2;
	s28 =	smov.u32 s30  }
0x10a: {  	v4 =	vld [tilespmem:s0+$0x10F00];
	_ =	sdelay $0x2  }
0x10b: {  	v3 =	vbroadcast v3, $0x2  }
0x10c: {  	v5 =	vld [tilespmem:s0+$0x11580]  }
0x10d: {  	v3 =	vmul.f32 v4, v3  }
0x10e: {  	v4 =	vpop (erf)  }
.Ltmp24:
0x10f: {  	v3 =	vmul.f32 v4, v3;
	(pc) =	sbr.rel @p1 .LBB2_32-.Ltmp24, $4  }
0x110: {  	_ = 	snop  }
0x111: {  	v3 =	vsel vm0, v3, v5  }
0x112: {  	s29 =	sadd.s32 $0x1, s29;
	[tilespmem:s0+$0x11580] =	vst v3  }
0x113: {  	s30 =	sadd.s32 $0x8, s30;
	v3 =	vld [tilespmem:s29+$0x0]  }
0x114: {  	_ =	sdelay $0x3  }
0x115: {  	(v2sf) =	vpush v3, $0x0;
	_ =	sdelay $0xe  }
0x116: {  	s0 =	spop (v2sf)  }
0x117: {  	s0 =	sshll.u32 s0, $0x4  }
0x118: {  	s0 =	sshra.s32 s0, $0x2  }
0x119: {  	v3 =	vld [tilespmem:s0+$0x5080];
	_ =	sdelay $0x4  }
0x11a: {  	v4 =	vadd.f32 $1.000000020e-16, v3;
	_ =	sdelay $0x1  }
0x11b: {  	(erf) = vrcp.f32 v4;
	_ =	sdelay $0x1  }
0x11c: {  	s30 =	sshra.s32 s28, $0x2  }
0x11d: {  	v62 =	vld [tilespmem:s30+$0x10F00];
	_ =	sdelay $0x2  }
0x11e: {  	v3 =	vbroadcast v3, $0x2  }
0x11f: {  	v5 =	vld [tilespmem:s30+$0x11580]  }
0x120: {  	v3 =	vmul.f32 v62, v3  }
0x121: {  	v63 =	vpop (erf)  }
0x122: {  	v3 =	vmul.f32 v63, v3;
	_ =	sdelay $0x1  }
0x123: {  	v3 =	vsel vm0, v3, v5  }
.Ltmp25:
0x124: {  	s31 =	sadd.s32 s7, s26;
	[tilespmem:s30+$0x11580] =	vst v3;
	(pc) =	sbr.rel .LBB2_34-.Ltmp25, $4  }
0x125: {  	[hbm4b:s31+s3] =	stream.linear.scatter [tilespmem:s23], [sflag:$0x1], $0x640, $0x38;
	[tilespmem:$0x1CB00] =	vst v63  }
0x126: {  	_ =	swait.ge [sflag:s16], $0x640  }
0x127: {  	[sflag:s16] =	ssyncset.done $0x0  }
0x128: {  	[sflag:s16] =	ssyncadd.s32 $0xFFFFF9C0  }
.LBB2_36:
0x129: {  	_ =	sfence.sel $0x180000  }
0x12a: {  	[bflag:$0x0] =	sbarrier.arrive $0xFFFF  }
0x12b: {  	_ =	strace $0x9000004A  }
0x12c: {  	[bflag:$0x2] =	sbarrier.arrive $0xFFFF  }
0x12d: {  	p0 =	sne.s32 s4, $0x0;
	s0 =	rddreg [dreg:$0x4]  }
0x12e: {  	s0 =	sadd.s32 @!p0 $0x100000, s0  }
0x12f: {  	[sflag:s0] =	ssyncadd.tile.s32 @!p0 $0x1;
	_ =	shalt  }
.Lfunc_end2:
_tile_overlayer_lowered:
.L_overlay_start_2:
0x130: {  	(tag) =	ssettag $0x2  }
0x131: {  	s0 =	rddreg [dreg:$0x0];
	s2 =	stileid.u32  }
0x132: {  	s1 =	rddreg [dreg:$0x1];
	p0 =	sne.s32 s2, $0x0  }
0x133: {  	s3 =	rddreg [dreg:$0x2];
	[bflag:$0x3] =	sbarrier.arrive $0xFFFF;
	s2 =	simm.s32 @!p0 $0x1C01  }
0x134: {  	[timem:s3], [sflag:s2] =	dma.local @!p0 [hbm:s0], s1  }
0x135: {  	s0 =	simm.s32 @!p0 $0x1  }
0x136: {  	_ =	swait.ge @!p0 [sflag:s0], s1  }
0x137: {  	s1 =	ssub.s32 @!p0 $0x0, s1;
	[sflag:s0] =	ssyncset.done @!p0 $0x0  }
0x138: {  	[sflag:s0] =	ssyncadd.s32 @!p0 s1  }
0x139: {  	[bflag:$0x3] =	sbarrier.arrive $0xFFFF  }
0x13a: {  	_ =	shalt  }

</sc_bundles>
